<compile_context>
chip_gen: v7x
topology: tpu7x:2x2x1
jax: 0.10.2.dev20260603
libtpu: 0.0.44.dev20260713+nightly
codegen_flags: <defaults>
</compile_context>

<pallas_src>
import functools

import jax
import jax.numpy as jnp
from jax import lax
from jax.experimental import pallas as pl
from jax.experimental.pallas import tpu as pltpu
from jax.experimental.pallas import tpu_sc as plsc


def kernel(x, emb_table):
    B0, S = x.shape
    V, D = emb_table.shape
    B = B0 * S

    info = plsc.get_sparse_core_info()
    NC, NS = info.num_cores, info.num_subcores
    NW = NC * NS

    K = 128
    R = 5
    b_per_w = B // NW
    n_chunks = b_per_w // K

    idx2d = x.reshape(B // K, K).astype(jnp.int32)

    mesh = plsc.VectorSubcoreMesh(core_axis_name="c", subcore_axis_name="s")

    @functools.partial(
        pl.kernel,
        mesh=mesh,
        out_type=jax.ShapeDtypeStruct((B, D), jnp.float32),
        scratch_types=(
            [pltpu.VMEM((n_chunks, K), jnp.int32)]
            + [pltpu.VMEM((K, D), jnp.float32) for _ in range(R)]
            + [pltpu.SemaphoreType.DMA for _ in range(2 * R)]
        ),
    )
    def gather_kernel(table_hbm, idx_hbm, out_hbm, idx_all, *bufs_and_sems):
        rows = bufs_and_sems[:R]
        gsem = bufs_and_sems[R:2 * R]
        ssem = bufs_and_sems[2 * R:]

        wid = lax.axis_index("s") * NC + lax.axis_index("c")
        idx_row0 = wid * n_chunks
        out_base = wid * b_per_w

        pltpu.sync_copy(idx_hbm.at[pl.ds(idx_row0, n_chunks)], idx_all)

        def fire_gather(i, r):
            pltpu.async_copy(table_hbm.at[idx_all.at[i]], rows[r], gsem[r])

        def wait_gather(r):
            pltpu.make_async_copy(table_hbm.at[idx_all.at[0]], rows[r],
                                  gsem[r]).wait()

        def fire_scatter(i, r):
            pltpu.async_copy(rows[r], out_hbm.at[pl.ds(out_base + i * K, K)],
                             ssem[r])

        def wait_scatter(r):
            pltpu.make_async_copy(rows[r], out_hbm.at[pl.ds(out_base, K)],
                                  ssem[r]).wait()

        for i in range(R - 1):
            fire_gather(i, i)
        for r in range(R):
            wait_gather(r)
            fire_scatter(r, r)
            rp = (r + R - 1) % R
            if r > 0:
                wait_scatter(rp)
            fire_gather(r + R - 1, rp)

        def body(t, carry):
            for r in range(R):
                i = R * t + r
                wait_gather(r)
                fire_scatter(i, r)
                rp = (r + R - 1) % R
                wait_scatter(rp)
                fire_gather(i + R - 1, rp)
            return carry

        lax.fori_loop(1, n_chunks // R - 1, body, 0)

        base = n_chunks - R
        for r in range(R):
            wait_gather(r)
            fire_scatter(base + r, r)
            if r == 0:
                rp = R - 1
                wait_scatter(rp)
                fire_gather(n_chunks - 1, rp)
        for r in range(R):
            wait_scatter(r)

    out = gather_kernel(emb_table, idx2d)
    return out.reshape(B0, S, D)

# --- scband reference (transcript-rebuilt; emitter-appended) ---
"""Pipeline reference for scband-embedding-48369921688192 (READ-ONLY COPY).

The authoritative reference and input builder live on the scoring server;
editing this copy changes nothing except your own understanding.
"""

import jax, jax.numpy as jnp
import numpy as np

VOCAB = 100000
D_MODEL = 128

def setup_inputs(seed: int = 0) -> dict:
    key = jax.random.key(seed)
    k_idx, k_tab = jax.random.split(key)
    x = jax.random.randint(k_idx, (4096, 200), 0, VOCAB, dtype=jnp.int64 if jax.config.jax_enable_x64 else jnp.int32)
    # truncated normal init in [-3, 3], mu=0, sigma=1
    emb_table = jax.random.truncated_normal(k_tab, -3.0, 3.0, (VOCAB, D_MODEL), dtype=jnp.float32)
    return {"x": x, "emb_table": emb_table}

def reference(x, emb_table):
    # torch: self.emb_table[x]  -> gather rows
    return jnp.take(emb_table, x, axis=0)

if __name__ == "__main__":
    import jax
    _d = setup_inputs()
    print(jax.jit(kernel)(*tuple(_d.values())))

</pallas_src>

<mosaic_0001>
#map = affine_map<(d0, d1) -> (0, 0)>
module attributes {stable_mosaic.version = 14 : i64} {
  func.func @gather_kernel(%arg0: i32, %arg1: i32, %arg2: memref<100000x128xf32, #tpu.memory_space<hbm>>, %arg3: memref<6400x128xi32, #tpu.memory_space<hbm>>, %arg4: memref<819200x128xf32, #tpu.memory_space<hbm>>, %arg5: memref<200x128xi32, #tpu.memory_space<vmem>>, %arg6: memref<128x128xf32, #tpu.memory_space<vmem>>, %arg7: memref<128x128xf32, #tpu.memory_space<vmem>>, %arg8: memref<128x128xf32, #tpu.memory_space<vmem>>, %arg9: memref<128x128xf32, #tpu.memory_space<vmem>>, %arg10: memref<128x128xf32, #tpu.memory_space<vmem>>, %arg11: memref<!tpu.dma_semaphore, #tpu.memory_space<semaphore_mem>>, %arg12: memref<!tpu.dma_semaphore, #tpu.memory_space<semaphore_mem>>, %arg13: memref<!tpu.dma_semaphore, #tpu.memory_space<semaphore_mem>>, %arg14: memref<!tpu.dma_semaphore, #tpu.memory_space<semaphore_mem>>, %arg15: memref<!tpu.dma_semaphore, #tpu.memory_space<semaphore_mem>>, %arg16: memref<!tpu.dma_semaphore, #tpu.memory_space<semaphore_mem>>, %arg17: memref<!tpu.dma_semaphore, #tpu.memory_space<semaphore_mem>>, %arg18: memref<!tpu.dma_semaphore, #tpu.memory_space<semaphore_mem>>, %arg19: memref<!tpu.dma_semaphore, #tpu.memory_space<semaphore_mem>>, %arg20: memref<!tpu.dma_semaphore, #tpu.memory_space<semaphore_mem>>) attributes {dimension_semantics = [#tpu.dimension_semantics<core_parallel>, #tpu.dimension_semantics<subcore_parallel>], iteration_bounds = array<i64: 2, 16>, scalar_prefetch = 0 : i64, scratch_operands = 16 : i64, tpu.core_type = #tpu.core_type<sc_vector_subcore>, window_params = [{transform_indices = #map}, {transform_indices = #map}, {transform_indices = #map}]} {
    %mul3A = arith.constant 2 : i32
    %mul3A_0 = arith.muli %arg1, %mul3A : i32
    %add3A = arith.addi %mul3A_0, %arg0 : i32
    %mul3A_1 = arith.constant 200 : i32
    %mul3A_2 = arith.muli %add3A, %mul3A_1 : i32
    %mul3A_3 = arith.constant 25600 : i32
    %mul3A_4 = arith.muli %add3A, %mul3A_3 : i32
    "tpu.region"() ({
      %run_scoped3A = tpu.sem_alloc : memref<!tpu.dma_semaphore, #tpu.memory_space<semaphore_mem>>
      %dma_start3A_248 = arith.constant 0 : i32
      %dma_start3A_249 = tpu.memref_slice %arg3[%mul3A_2, %dma_start3A_248] : memref<6400x128xi32, #tpu.memory_space<hbm>> -> memref<200x128xi32, #tpu.memory_space<hbm>>
      %dma_start3A_250 = arith.constant 0 : i32
      %dma_start3A_251 = tpu.memref_slice %arg3[%mul3A_2, %dma_start3A_250] : memref<6400x128xi32, #tpu.memory_space<hbm>> -> memref<200x128xi32, #tpu.memory_space<hbm>>
      tpu.enqueue_dma source(%dma_start3A_251 : memref<200x128xi32, #tpu.memory_space<hbm>>) target(%arg5 : memref<200x128xi32, #tpu.memory_space<vmem>>) target_semaphore(%run_scoped3A : memref<!tpu.dma_semaphore, #tpu.memory_space<semaphore_mem>>)
      %dma_wait3A_252 = arith.constant 0 : i32
      %dma_wait3A_253 = tpu.memref_slice %arg3[%mul3A_2, %dma_wait3A_252] : memref<6400x128xi32, #tpu.memory_space<hbm>> -> memref<200x128xi32, #tpu.memory_space<hbm>>
      %dma_wait3A_254 = arith.constant 0 : i32
      %dma_wait3A_255 = tpu.memref_slice %arg3[%mul3A_2, %dma_wait3A_254] : memref<6400x128xi32, #tpu.memory_space<hbm>> -> memref<200x128xi32, #tpu.memory_space<hbm>>
      tpu.wait_dma2 semaphore(%run_scoped3A : memref<!tpu.dma_semaphore, #tpu.memory_space<semaphore_mem>>) src(%dma_wait3A_255 : memref<200x128xi32, #tpu.memory_space<hbm>>) dst(%arg5 : memref<200x128xi32, #tpu.memory_space<vmem>>)
      tpu.yield
    }) : () -> ()
    %dma_start3A = arith.constant 0 : i32
    %dma_start3A_5 = arith.constant 0 : i32
    %dma_start3A_6 = tpu.memref_slice %arg5[%dma_start3A, %dma_start3A_5] : memref<200x128xi32, #tpu.memory_space<vmem>> -> memref<1x128xi32, #tpu.memory_space<vmem>>
    %dma_start3A_7 = tpu.memref_squeeze %dma_start3A_6 : memref<1x128xi32, #tpu.memory_space<vmem>> -> memref<128xi32, #tpu.memory_space<vmem>>
    %dma_start3A_8 = arith.constant 0 : i32
    %dma_start3A_9 = arith.constant 0 : i32
    %dma_start3A_10 = tpu.memref_slice %arg2[%dma_start3A_8, %dma_start3A_9] : memref<100000x128xf32, #tpu.memory_space<hbm>> -> memref<100000x128xf32, #tpu.memory_space<hbm>>
    tpu.enqueue_indirect_dma source(%dma_start3A_10 : memref<100000x128xf32, #tpu.memory_space<hbm>>) target(%arg6 : memref<128x128xf32, #tpu.memory_space<vmem>>) offsets(%dma_start3A_7 : memref<128xi32, #tpu.memory_space<vmem>>) semaphore(%arg11 : memref<!tpu.dma_semaphore, #tpu.memory_space<semaphore_mem>>)
    %dma_start3A_11 = arith.constant 1 : i32
    %dma_start3A_12 = arith.constant 0 : i32
    %dma_start3A_13 = tpu.memref_slice %arg5[%dma_start3A_11, %dma_start3A_12] : memref<200x128xi32, #tpu.memory_space<vmem>> -> memref<1x128xi32, #tpu.memory_space<vmem>>
    %dma_start3A_14 = tpu.memref_squeeze %dma_start3A_13 : memref<1x128xi32, #tpu.memory_space<vmem>> -> memref<128xi32, #tpu.memory_space<vmem>>
    %dma_start3A_15 = arith.constant 0 : i32
    %dma_start3A_16 = arith.constant 0 : i32
    %dma_start3A_17 = tpu.memref_slice %arg2[%dma_start3A_15, %dma_start3A_16] : memref<100000x128xf32, #tpu.memory_space<hbm>> -> memref<100000x128xf32, #tpu.memory_space<hbm>>
    tpu.enqueue_indirect_dma source(%dma_start3A_17 : memref<100000x128xf32, #tpu.memory_space<hbm>>) target(%arg7 : memref<128x128xf32, #tpu.memory_space<vmem>>) offsets(%dma_start3A_14 : memref<128xi32, #tpu.memory_space<vmem>>) semaphore(%arg12 : memref<!tpu.dma_semaphore, #tpu.memory_space<semaphore_mem>>)
    %dma_start3A_18 = arith.constant 2 : i32
    %dma_start3A_19 = arith.constant 0 : i32
    %dma_start3A_20 = tpu.memref_slice %arg5[%dma_start3A_18, %dma_start3A_19] : memref<200x128xi32, #tpu.memory_space<vmem>> -> memref<1x128xi32, #tpu.memory_space<vmem>>
    %dma_start3A_21 = tpu.memref_squeeze %dma_start3A_20 : memref<1x128xi32, #tpu.memory_space<vmem>> -> memref<128xi32, #tpu.memory_space<vmem>>
    %dma_start3A_22 = arith.constant 0 : i32
    %dma_start3A_23 = arith.constant 0 : i32
    %dma_start3A_24 = tpu.memref_slice %arg2[%dma_start3A_22, %dma_start3A_23] : memref<100000x128xf32, #tpu.memory_space<hbm>> -> memref<100000x128xf32, #tpu.memory_space<hbm>>
    tpu.enqueue_indirect_dma source(%dma_start3A_24 : memref<100000x128xf32, #tpu.memory_space<hbm>>) target(%arg8 : memref<128x128xf32, #tpu.memory_space<vmem>>) offsets(%dma_start3A_21 : memref<128xi32, #tpu.memory_space<vmem>>) semaphore(%arg13 : memref<!tpu.dma_semaphore, #tpu.memory_space<semaphore_mem>>)
    %dma_start3A_25 = arith.constant 3 : i32
    %dma_start3A_26 = arith.constant 0 : i32
    %dma_start3A_27 = tpu.memref_slice %arg5[%dma_start3A_25, %dma_start3A_26] : memref<200x128xi32, #tpu.memory_space<vmem>> -> memref<1x128xi32, #tpu.memory_space<vmem>>
    %dma_start3A_28 = tpu.memref_squeeze %dma_start3A_27 : memref<1x128xi32, #tpu.memory_space<vmem>> -> memref<128xi32, #tpu.memory_space<vmem>>
    %dma_start3A_29 = arith.constant 0 : i32
    %dma_start3A_30 = arith.constant 0 : i32
    %dma_start3A_31 = tpu.memref_slice %arg2[%dma_start3A_29, %dma_start3A_30] : memref<100000x128xf32, #tpu.memory_space<hbm>> -> memref<100000x128xf32, #tpu.memory_space<hbm>>
    tpu.enqueue_indirect_dma source(%dma_start3A_31 : memref<100000x128xf32, #tpu.memory_space<hbm>>) target(%arg9 : memref<128x128xf32, #tpu.memory_space<vmem>>) offsets(%dma_start3A_28 : memref<128xi32, #tpu.memory_space<vmem>>) semaphore(%arg14 : memref<!tpu.dma_semaphore, #tpu.memory_space<semaphore_mem>>)
    %dma_wait3A = arith.constant 0 : i32
    %dma_wait3A_32 = arith.constant 0 : i32
    %dma_wait3A_33 = tpu.memref_slice %arg5[%dma_wait3A, %dma_wait3A_32] : memref<200x128xi32, #tpu.memory_space<vmem>> -> memref<1x128xi32, #tpu.memory_space<vmem>>
    %dma_wait3A_34 = tpu.memref_squeeze %dma_wait3A_33 : memref<1x128xi32, #tpu.memory_space<vmem>> -> memref<128xi32, #tpu.memory_space<vmem>>
    %dma_wait3A_35 = arith.constant 0 : i32
    %dma_wait3A_36 = arith.constant 0 : i32
    %dma_wait3A_37 = tpu.memref_slice %arg2[%dma_wait3A_35, %dma_wait3A_36] : memref<100000x128xf32, #tpu.memory_space<hbm>> -> memref<100000x128xf32, #tpu.memory_space<hbm>>
    tpu.wait_indirect_dma semaphore(%arg11 : memref<!tpu.dma_semaphore, #tpu.memory_space<semaphore_mem>>) src(%dma_wait3A_37 : memref<100000x128xf32, #tpu.memory_space<hbm>>) dst(%arg6 : memref<128x128xf32, #tpu.memory_space<vmem>>)
    %add3A_38 = arith.constant 0 : i32
    %add3A_39 = arith.addi %mul3A_4, %add3A_38 : i32
    %dma_start3A_40 = arith.constant 0 : i32
    %dma_start3A_41 = tpu.memref_slice %arg4[%add3A_39, %dma_start3A_40] : memref<819200x128xf32, #tpu.memory_space<hbm>> -> memref<128x128xf32, #tpu.memory_space<hbm>>
    %dma_start3A_42 = arith.constant 0 : i32
    %dma_start3A_43 = tpu.memref_slice %arg4[%add3A_39, %dma_start3A_42] : memref<819200x128xf32, #tpu.memory_space<hbm>> -> memref<128x128xf32, #tpu.memory_space<hbm>>
    tpu.enqueue_dma source(%arg6 : memref<128x128xf32, #tpu.memory_space<vmem>>) target(%dma_start3A_43 : memref<128x128xf32, #tpu.memory_space<hbm>>) target_semaphore(%arg16 : memref<!tpu.dma_semaphore, #tpu.memory_space<semaphore_mem>>)
    %dma_start3A_44 = arith.constant 4 : i32
    %dma_start3A_45 = arith.constant 0 : i32
    %dma_start3A_46 = tpu.memref_slice %arg5[%dma_start3A_44, %dma_start3A_45] : memref<200x128xi32, #tpu.memory_space<vmem>> -> memref<1x128xi32, #tpu.memory_space<vmem>>
    %dma_start3A_47 = tpu.memref_squeeze %dma_start3A_46 : memref<1x128xi32, #tpu.memory_space<vmem>> -> memref<128xi32, #tpu.memory_space<vmem>>
    %dma_start3A_48 = arith.constant 0 : i32
    %dma_start3A_49 = arith.constant 0 : i32
    %dma_start3A_50 = tpu.memref_slice %arg2[%dma_start3A_48, %dma_start3A_49] : memref<100000x128xf32, #tpu.memory_space<hbm>> -> memref<100000x128xf32, #tpu.memory_space<hbm>>
    tpu.enqueue_indirect_dma source(%dma_start3A_50 : memref<100000x128xf32, #tpu.memory_space<hbm>>) target(%arg10 : memref<128x128xf32, #tpu.memory_space<vmem>>) offsets(%dma_start3A_47 : memref<128xi32, #tpu.memory_space<vmem>>) semaphore(%arg15 : memref<!tpu.dma_semaphore, #tpu.memory_space<semaphore_mem>>)
    %dma_wait3A_51 = arith.constant 0 : i32
    %dma_wait3A_52 = arith.constant 0 : i32
    %dma_wait3A_53 = tpu.memref_slice %arg5[%dma_wait3A_51, %dma_wait3A_52] : memref<200x128xi32, #tpu.memory_space<vmem>> -> memref<1x128xi32, #tpu.memory_space<vmem>>
    %dma_wait3A_54 = tpu.memref_squeeze %dma_wait3A_53 : memref<1x128xi32, #tpu.memory_space<vmem>> -> memref<128xi32, #tpu.memory_space<vmem>>
    %dma_wait3A_55 = arith.constant 0 : i32
    %dma_wait3A_56 = arith.constant 0 : i32
    %dma_wait3A_57 = tpu.memref_slice %arg2[%dma_wait3A_55, %dma_wait3A_56] : memref<100000x128xf32, #tpu.memory_space<hbm>> -> memref<100000x128xf32, #tpu.memory_space<hbm>>
    tpu.wait_indirect_dma semaphore(%arg12 : memref<!tpu.dma_semaphore, #tpu.memory_space<semaphore_mem>>) src(%dma_wait3A_57 : memref<100000x128xf32, #tpu.memory_space<hbm>>) dst(%arg7 : memref<128x128xf32, #tpu.memory_space<vmem>>)
    %add3A_58 = arith.constant 128 : i32
    %add3A_59 = arith.addi %mul3A_4, %add3A_58 : i32
    %dma_start3A_60 = arith.constant 0 : i32
    %dma_start3A_61 = tpu.memref_slice %arg4[%add3A_59, %dma_start3A_60] : memref<819200x128xf32, #tpu.memory_space<hbm>> -> memref<128x128xf32, #tpu.memory_space<hbm>>
    %dma_start3A_62 = arith.constant 0 : i32
    %dma_start3A_63 = tpu.memref_slice %arg4[%add3A_59, %dma_start3A_62] : memref<819200x128xf32, #tpu.memory_space<hbm>> -> memref<128x128xf32, #tpu.memory_space<hbm>>
    tpu.enqueue_dma source(%arg7 : memref<128x128xf32, #tpu.memory_space<vmem>>) target(%dma_start3A_63 : memref<128x128xf32, #tpu.memory_space<hbm>>) target_semaphore(%arg17 : memref<!tpu.dma_semaphore, #tpu.memory_space<semaphore_mem>>)
    %dma_wait3A_64 = arith.constant 0 : i32
    %dma_wait3A_65 = tpu.memref_slice %arg4[%mul3A_4, %dma_wait3A_64] : memref<819200x128xf32, #tpu.memory_space<hbm>> -> memref<128x128xf32, #tpu.memory_space<hbm>>
    %dma_wait3A_66 = arith.constant 0 : i32
    %dma_wait3A_67 = tpu.memref_slice %arg4[%mul3A_4, %dma_wait3A_66] : memref<819200x128xf32, #tpu.memory_space<hbm>> -> memref<128x128xf32, #tpu.memory_space<hbm>>
    tpu.wait_dma2 semaphore(%arg16 : memref<!tpu.dma_semaphore, #tpu.memory_space<semaphore_mem>>) src(%arg6 : memref<128x128xf32, #tpu.memory_space<vmem>>) dst(%dma_wait3A_67 : memref<128x128xf32, #tpu.memory_space<hbm>>)
    %dma_start3A_68 = arith.constant 5 : i32
    %dma_start3A_69 = arith.constant 0 : i32
    %dma_start3A_70 = tpu.memref_slice %arg5[%dma_start3A_68, %dma_start3A_69] : memref<200x128xi32, #tpu.memory_space<vmem>> -> memref<1x128xi32, #tpu.memory_space<vmem>>
    %dma_start3A_71 = tpu.memref_squeeze %dma_start3A_70 : memref<1x128xi32, #tpu.memory_space<vmem>> -> memref<128xi32, #tpu.memory_space<vmem>>
    %dma_start3A_72 = arith.constant 0 : i32
    %dma_start3A_73 = arith.constant 0 : i32
    %dma_start3A_74 = tpu.memref_slice %arg2[%dma_start3A_72, %dma_start3A_73] : memref<100000x128xf32, #tpu.memory_space<hbm>> -> memref<100000x128xf32, #tpu.memory_space<hbm>>
    tpu.enqueue_indirect_dma source(%dma_start3A_74 : memref<100000x128xf32, #tpu.memory_space<hbm>>) target(%arg6 : memref<128x128xf32, #tpu.memory_space<vmem>>) offsets(%dma_start3A_71 : memref<128xi32, #tpu.memory_space<vmem>>) semaphore(%arg11 : memref<!tpu.dma_semaphore, #tpu.memory_space<semaphore_mem>>)
    %dma_wait3A_75 = arith.constant 0 : i32
    %dma_wait3A_76 = arith.constant 0 : i32
    %dma_wait3A_77 = tpu.memref_slice %arg5[%dma_wait3A_75, %dma_wait3A_76] : memref<200x128xi32, #tpu.memory_space<vmem>> -> memref<1x128xi32, #tpu.memory_space<vmem>>
    %dma_wait3A_78 = tpu.memref_squeeze %dma_wait3A_77 : memref<1x128xi32, #tpu.memory_space<vmem>> -> memref<128xi32, #tpu.memory_space<vmem>>
    %dma_wait3A_79 = arith.constant 0 : i32
    %dma_wait3A_80 = arith.constant 0 : i32
    %dma_wait3A_81 = tpu.memref_slice %arg2[%dma_wait3A_79, %dma_wait3A_80] : memref<100000x128xf32, #tpu.memory_space<hbm>> -> memref<100000x128xf32, #tpu.memory_space<hbm>>
    tpu.wait_indirect_dma semaphore(%arg13 : memref<!tpu.dma_semaphore, #tpu.memory_space<semaphore_mem>>) src(%dma_wait3A_81 : memref<100000x128xf32, #tpu.memory_space<hbm>>) dst(%arg8 : memref<128x128xf32, #tpu.memory_space<vmem>>)
    %add3A_82 = arith.constant 256 : i32
    %add3A_83 = arith.addi %mul3A_4, %add3A_82 : i32
    %dma_start3A_84 = arith.constant 0 : i32
    %dma_start3A_85 = tpu.memref_slice %arg4[%add3A_83, %dma_start3A_84] : memref<819200x128xf32, #tpu.memory_space<hbm>> -> memref<128x128xf32, #tpu.memory_space<hbm>>
    %dma_start3A_86 = arith.constant 0 : i32
    %dma_start3A_87 = tpu.memref_slice %arg4[%add3A_83, %dma_start3A_86] : memref<819200x128xf32, #tpu.memory_space<hbm>> -> memref<128x128xf32, #tpu.memory_space<hbm>>
    tpu.enqueue_dma source(%arg8 : memref<128x128xf32, #tpu.memory_space<vmem>>) target(%dma_start3A_87 : memref<128x128xf32, #tpu.memory_space<hbm>>) target_semaphore(%arg18 : memref<!tpu.dma_semaphore, #tpu.memory_space<semaphore_mem>>)
    %dma_wait3A_88 = arith.constant 0 : i32
    %dma_wait3A_89 = tpu.memref_slice %arg4[%mul3A_4, %dma_wait3A_88] : memref<819200x128xf32, #tpu.memory_space<hbm>> -> memref<128x128xf32, #tpu.memory_space<hbm>>
    %dma_wait3A_90 = arith.constant 0 : i32
    %dma_wait3A_91 = tpu.memref_slice %arg4[%mul3A_4, %dma_wait3A_90] : memref<819200x128xf32, #tpu.memory_space<hbm>> -> memref<128x128xf32, #tpu.memory_space<hbm>>
    tpu.wait_dma2 semaphore(%arg17 : memref<!tpu.dma_semaphore, #tpu.memory_space<semaphore_mem>>) src(%arg7 : memref<128x128xf32, #tpu.memory_space<vmem>>) dst(%dma_wait3A_91 : memref<128x128xf32, #tpu.memory_space<hbm>>)
    %dma_start3A_92 = arith.constant 6 : i32
    %dma_start3A_93 = arith.constant 0 : i32
    %dma_start3A_94 = tpu.memref_slice %arg5[%dma_start3A_92, %dma_start3A_93] : memref<200x128xi32, #tpu.memory_space<vmem>> -> memref<1x128xi32, #tpu.memory_space<vmem>>
    %dma_start3A_95 = tpu.memref_squeeze %dma_start3A_94 : memref<1x128xi32, #tpu.memory_space<vmem>> -> memref<128xi32, #tpu.memory_space<vmem>>
    %dma_start3A_96 = arith.constant 0 : i32
    %dma_start3A_97 = arith.constant 0 : i32
    %dma_start3A_98 = tpu.memref_slice %arg2[%dma_start3A_96, %dma_start3A_97] : memref<100000x128xf32, #tpu.memory_space<hbm>> -> memref<100000x128xf32, #tpu.memory_space<hbm>>
    tpu.enqueue_indirect_dma source(%dma_start3A_98 : memref<100000x128xf32, #tpu.memory_space<hbm>>) target(%arg7 : memref<128x128xf32, #tpu.memory_space<vmem>>) offsets(%dma_start3A_95 : memref<128xi32, #tpu.memory_space<vmem>>) semaphore(%arg12 : memref<!tpu.dma_semaphore, #tpu.memory_space<semaphore_mem>>)
    %dma_wait3A_99 = arith.constant 0 : i32
    %dma_wait3A_100 = arith.constant 0 : i32
    %dma_wait3A_101 = tpu.memref_slice %arg5[%dma_wait3A_99, %dma_wait3A_100] : memref<200x128xi32, #tpu.memory_space<vmem>> -> memref<1x128xi32, #tpu.memory_space<vmem>>
    %dma_wait3A_102 = tpu.memref_squeeze %dma_wait3A_101 : memref<1x128xi32, #tpu.memory_space<vmem>> -> memref<128xi32, #tpu.memory_space<vmem>>
    %dma_wait3A_103 = arith.constant 0 : i32
    %dma_wait3A_104 = arith.constant 0 : i32
    %dma_wait3A_105 = tpu.memref_slice %arg2[%dma_wait3A_103, %dma_wait3A_104] : memref<100000x128xf32, #tpu.memory_space<hbm>> -> memref<100000x128xf32, #tpu.memory_space<hbm>>
    tpu.wait_indirect_dma semaphore(%arg14 : memref<!tpu.dma_semaphore, #tpu.memory_space<semaphore_mem>>) src(%dma_wait3A_105 : memref<100000x128xf32, #tpu.memory_space<hbm>>) dst(%arg9 : memref<128x128xf32, #tpu.memory_space<vmem>>)
    %add3A_106 = arith.constant 384 : i32
    %add3A_107 = arith.addi %mul3A_4, %add3A_106 : i32
    %dma_start3A_108 = arith.constant 0 : i32
    %dma_start3A_109 = tpu.memref_slice %arg4[%add3A_107, %dma_start3A_108] : memref<819200x128xf32, #tpu.memory_space<hbm>> -> memref<128x128xf32, #tpu.memory_space<hbm>>
    %dma_start3A_110 = arith.constant 0 : i32
    %dma_start3A_111 = tpu.memref_slice %arg4[%add3A_107, %dma_start3A_110] : memref<819200x128xf32, #tpu.memory_space<hbm>> -> memref<128x128xf32, #tpu.memory_space<hbm>>
    tpu.enqueue_dma source(%arg9 : memref<128x128xf32, #tpu.memory_space<vmem>>) target(%dma_start3A_111 : memref<128x128xf32, #tpu.memory_space<hbm>>) target_semaphore(%arg19 : memref<!tpu.dma_semaphore, #tpu.memory_space<semaphore_mem>>)
    %dma_wait3A_112 = arith.constant 0 : i32
    %dma_wait3A_113 = tpu.memref_slice %arg4[%mul3A_4, %dma_wait3A_112] : memref<819200x128xf32, #tpu.memory_space<hbm>> -> memref<128x128xf32, #tpu.memory_space<hbm>>
    %dma_wait3A_114 = arith.constant 0 : i32
    %dma_wait3A_115 = tpu.memref_slice %arg4[%mul3A_4, %dma_wait3A_114] : memref<819200x128xf32, #tpu.memory_space<hbm>> -> memref<128x128xf32, #tpu.memory_space<hbm>>
    tpu.wait_dma2 semaphore(%arg18 : memref<!tpu.dma_semaphore, #tpu.memory_space<semaphore_mem>>) src(%arg8 : memref<128x128xf32, #tpu.memory_space<vmem>>) dst(%dma_wait3A_115 : memref<128x128xf32, #tpu.memory_space<hbm>>)
    %dma_start3A_116 = arith.constant 7 : i32
    %dma_start3A_117 = arith.constant 0 : i32
    %dma_start3A_118 = tpu.memref_slice %arg5[%dma_start3A_116, %dma_start3A_117] : memref<200x128xi32, #tpu.memory_space<vmem>> -> memref<1x128xi32, #tpu.memory_space<vmem>>
    %dma_start3A_119 = tpu.memref_squeeze %dma_start3A_118 : memref<1x128xi32, #tpu.memory_space<vmem>> -> memref<128xi32, #tpu.memory_space<vmem>>
    %dma_start3A_120 = arith.constant 0 : i32
    %dma_start3A_121 = arith.constant 0 : i32
    %dma_start3A_122 = tpu.memref_slice %arg2[%dma_start3A_120, %dma_start3A_121] : memref<100000x128xf32, #tpu.memory_space<hbm>> -> memref<100000x128xf32, #tpu.memory_space<hbm>>
    tpu.enqueue_indirect_dma source(%dma_start3A_122 : memref<100000x128xf32, #tpu.memory_space<hbm>>) target(%arg8 : memref<128x128xf32, #tpu.memory_space<vmem>>) offsets(%dma_start3A_119 : memref<128xi32, #tpu.memory_space<vmem>>) semaphore(%arg13 : memref<!tpu.dma_semaphore, #tpu.memory_space<semaphore_mem>>)
    %dma_wait3A_123 = arith.constant 0 : i32
    %dma_wait3A_124 = arith.constant 0 : i32
    %dma_wait3A_125 = tpu.memref_slice %arg5[%dma_wait3A_123, %dma_wait3A_124] : memref<200x128xi32, #tpu.memory_space<vmem>> -> memref<1x128xi32, #tpu.memory_space<vmem>>
    %dma_wait3A_126 = tpu.memref_squeeze %dma_wait3A_125 : memref<1x128xi32, #tpu.memory_space<vmem>> -> memref<128xi32, #tpu.memory_space<vmem>>
    %dma_wait3A_127 = arith.constant 0 : i32
    %dma_wait3A_128 = arith.constant 0 : i32
    %dma_wait3A_129 = tpu.memref_slice %arg2[%dma_wait3A_127, %dma_wait3A_128] : memref<100000x128xf32, #tpu.memory_space<hbm>> -> memref<100000x128xf32, #tpu.memory_space<hbm>>
    tpu.wait_indirect_dma semaphore(%arg15 : memref<!tpu.dma_semaphore, #tpu.memory_space<semaphore_mem>>) src(%dma_wait3A_129 : memref<100000x128xf32, #tpu.memory_space<hbm>>) dst(%arg10 : memref<128x128xf32, #tpu.memory_space<vmem>>)
    %add3A_130 = arith.constant 512 : i32
    %add3A_131 = arith.addi %mul3A_4, %add3A_130 : i32
    %dma_start3A_132 = arith.constant 0 : i32
    %dma_start3A_133 = tpu.memref_slice %arg4[%add3A_131, %dma_start3A_132] : memref<819200x128xf32, #tpu.memory_space<hbm>> -> memref<128x128xf32, #tpu.memory_space<hbm>>
    %dma_start3A_134 = arith.constant 0 : i32
    %dma_start3A_135 = tpu.memref_slice %arg4[%add3A_131, %dma_start3A_134] : memref<819200x128xf32, #tpu.memory_space<hbm>> -> memref<128x128xf32, #tpu.memory_space<hbm>>
    tpu.enqueue_dma source(%arg10 : memref<128x128xf32, #tpu.memory_space<vmem>>) target(%dma_start3A_135 : memref<128x128xf32, #tpu.memory_space<hbm>>) target_semaphore(%arg20 : memref<!tpu.dma_semaphore, #tpu.memory_space<semaphore_mem>>)
    %dma_wait3A_136 = arith.constant 0 : i32
    %dma_wait3A_137 = tpu.memref_slice %arg4[%mul3A_4, %dma_wait3A_136] : memref<819200x128xf32, #tpu.memory_space<hbm>> -> memref<128x128xf32, #tpu.memory_space<hbm>>
    %dma_wait3A_138 = arith.constant 0 : i32
    %dma_wait3A_139 = tpu.memref_slice %arg4[%mul3A_4, %dma_wait3A_138] : memref<819200x128xf32, #tpu.memory_space<hbm>> -> memref<128x128xf32, #tpu.memory_space<hbm>>
    tpu.wait_dma2 semaphore(%arg19 : memref<!tpu.dma_semaphore, #tpu.memory_space<semaphore_mem>>) src(%arg9 : memref<128x128xf32, #tpu.memory_space<vmem>>) dst(%dma_wait3A_139 : memref<128x128xf32, #tpu.memory_space<hbm>>)
    %dma_start3A_140 = arith.constant 8 : i32
    %dma_start3A_141 = arith.constant 0 : i32
    %dma_start3A_142 = tpu.memref_slice %arg5[%dma_start3A_140, %dma_start3A_141] : memref<200x128xi32, #tpu.memory_space<vmem>> -> memref<1x128xi32, #tpu.memory_space<vmem>>
    %dma_start3A_143 = tpu.memref_squeeze %dma_start3A_142 : memref<1x128xi32, #tpu.memory_space<vmem>> -> memref<128xi32, #tpu.memory_space<vmem>>
    %dma_start3A_144 = arith.constant 0 : i32
    %dma_start3A_145 = arith.constant 0 : i32
    %dma_start3A_146 = tpu.memref_slice %arg2[%dma_start3A_144, %dma_start3A_145] : memref<100000x128xf32, #tpu.memory_space<hbm>> -> memref<100000x128xf32, #tpu.memory_space<hbm>>
    tpu.enqueue_indirect_dma source(%dma_start3A_146 : memref<100000x128xf32, #tpu.memory_space<hbm>>) target(%arg9 : memref<128x128xf32, #tpu.memory_space<vmem>>) offsets(%dma_start3A_143 : memref<128xi32, #tpu.memory_space<vmem>>) semaphore(%arg14 : memref<!tpu.dma_semaphore, #tpu.memory_space<semaphore_mem>>)
    %scan3A = arith.constant 0 : i32
    %scan3A_147 = arith.constant 1 : i32
    %scan3A_148 = arith.constant 38 : i32
    %scan3A_149 = arith.addi %scan3A_147, %scan3A_148 : i32
    %scan3A_150 = arith.constant 1 : i32
    scf.for %scan3A_248 = %scan3A_147 to %scan3A_149 step %scan3A_150  : i32 {
      %mul3A_249 = arith.constant 5 : i32
      %mul3A_250 = arith.muli %mul3A_249, %scan3A_248 : i32
      %add3A_251 = arith.constant 0 : i32
      %add3A_252 = arith.addi %mul3A_250, %add3A_251 : i32
      %dma_wait3A_253 = arith.constant 0 : i32
      %dma_wait3A_254 = arith.constant 0 : i32
      %dma_wait3A_255 = tpu.memref_slice %arg5[%dma_wait3A_253, %dma_wait3A_254] : memref<200x128xi32, #tpu.memory_space<vmem>> -> memref<1x128xi32, #tpu.memory_space<vmem>>
      %dma_wait3A_256 = tpu.memref_squeeze %dma_wait3A_255 : memref<1x128xi32, #tpu.memory_space<vmem>> -> memref<128xi32, #tpu.memory_space<vmem>>
      %dma_wait3A_257 = arith.constant 0 : i32
      %dma_wait3A_258 = arith.constant 0 : i32
      %dma_wait3A_259 = tpu.memref_slice %arg2[%dma_wait3A_257, %dma_wait3A_258] : memref<100000x128xf32, #tpu.memory_space<hbm>> -> memref<100000x128xf32, #tpu.memory_space<hbm>>
      tpu.wait_indirect_dma semaphore(%arg11 : memref<!tpu.dma_semaphore, #tpu.memory_space<semaphore_mem>>) src(%dma_wait3A_259 : memref<100000x128xf32, #tpu.memory_space<hbm>>) dst(%arg6 : memref<128x128xf32, #tpu.memory_space<vmem>>)
      %mul3A_260 = arith.constant 128 : i32
      %mul3A_261 = arith.muli %add3A_252, %mul3A_260 : i32
      %add3A_262 = arith.addi %mul3A_4, %mul3A_261 : i32
      %dma_start3A_263 = arith.constant 0 : i32
      %dma_start3A_264 = tpu.memref_slice %arg4[%add3A_262, %dma_start3A_263] : memref<819200x128xf32, #tpu.memory_space<hbm>> -> memref<128x128xf32, #tpu.memory_space<hbm>>
      %dma_start3A_265 = arith.constant 0 : i32
      %dma_start3A_266 = tpu.memref_slice %arg4[%add3A_262, %dma_start3A_265] : memref<819200x128xf32, #tpu.memory_space<hbm>> -> memref<128x128xf32, #tpu.memory_space<hbm>>
      tpu.enqueue_dma source(%arg6 : memref<128x128xf32, #tpu.memory_space<vmem>>) target(%dma_start3A_266 : memref<128x128xf32, #tpu.memory_space<hbm>>) target_semaphore(%arg16 : memref<!tpu.dma_semaphore, #tpu.memory_space<semaphore_mem>>)
      %dma_wait3A_267 = arith.constant 0 : i32
      %dma_wait3A_268 = tpu.memref_slice %arg4[%mul3A_4, %dma_wait3A_267] : memref<819200x128xf32, #tpu.memory_space<hbm>> -> memref<128x128xf32, #tpu.memory_space<hbm>>
      %dma_wait3A_269 = arith.constant 0 : i32
      %dma_wait3A_270 = tpu.memref_slice %arg4[%mul3A_4, %dma_wait3A_269] : memref<819200x128xf32, #tpu.memory_space<hbm>> -> memref<128x128xf32, #tpu.memory_space<hbm>>
      tpu.wait_dma2 semaphore(%arg20 : memref<!tpu.dma_semaphore, #tpu.memory_space<semaphore_mem>>) src(%arg10 : memref<128x128xf32, #tpu.memory_space<vmem>>) dst(%dma_wait3A_270 : memref<128x128xf32, #tpu.memory_space<hbm>>)
      %add3A_271 = arith.constant 5 : i32
      %add3A_272 = arith.addi %add3A_252, %add3A_271 : i32
      %sub3A = arith.constant 1 : i32
      %sub3A_273 = arith.subi %add3A_272, %sub3A : i32
      %dma_start3A_274 = arith.constant 0 : i32
      %dma_start3A_275 = tpu.memref_slice %arg5[%sub3A_273, %dma_start3A_274] : memref<200x128xi32, #tpu.memory_space<vmem>> -> memref<1x128xi32, #tpu.memory_space<vmem>>
      %dma_start3A_276 = tpu.memref_squeeze %dma_start3A_275 : memref<1x128xi32, #tpu.memory_space<vmem>> -> memref<128xi32, #tpu.memory_space<vmem>>
      %dma_start3A_277 = arith.constant 0 : i32
      %dma_start3A_278 = arith.constant 0 : i32
      %dma_start3A_279 = tpu.memref_slice %arg2[%dma_start3A_277, %dma_start3A_278] : memref<100000x128xf32, #tpu.memory_space<hbm>> -> memref<100000x128xf32, #tpu.memory_space<hbm>>
      tpu.enqueue_indirect_dma source(%dma_start3A_279 : memref<100000x128xf32, #tpu.memory_space<hbm>>) target(%arg10 : memref<128x128xf32, #tpu.memory_space<vmem>>) offsets(%dma_start3A_276 : memref<128xi32, #tpu.memory_space<vmem>>) semaphore(%arg15 : memref<!tpu.dma_semaphore, #tpu.memory_space<semaphore_mem>>)
      %mul3A_280 = arith.constant 5 : i32
      %mul3A_281 = arith.muli %mul3A_280, %scan3A_248 : i32
      %add3A_282 = arith.constant 1 : i32
      %add3A_283 = arith.addi %mul3A_281, %add3A_282 : i32
      %dma_wait3A_284 = arith.constant 0 : i32
      %dma_wait3A_285 = arith.constant 0 : i32
      %dma_wait3A_286 = tpu.memref_slice %arg5[%dma_wait3A_284, %dma_wait3A_285] : memref<200x128xi32, #tpu.memory_space<vmem>> -> memref<1x128xi32, #tpu.memory_space<vmem>>
      %dma_wait3A_287 = tpu.memref_squeeze %dma_wait3A_286 : memref<1x128xi32, #tpu.memory_space<vmem>> -> memref<128xi32, #tpu.memory_space<vmem>>
      %dma_wait3A_288 = arith.constant 0 : i32
      %dma_wait3A_289 = arith.constant 0 : i32
      %dma_wait3A_290 = tpu.memref_slice %arg2[%dma_wait3A_288, %dma_wait3A_289] : memref<100000x128xf32, #tpu.memory_space<hbm>> -> memref<100000x128xf32, #tpu.memory_space<hbm>>
      tpu.wait_indirect_dma semaphore(%arg12 : memref<!tpu.dma_semaphore, #tpu.memory_space<semaphore_mem>>) src(%dma_wait3A_290 : memref<100000x128xf32, #tpu.memory_space<hbm>>) dst(%arg7 : memref<128x128xf32, #tpu.memory_space<vmem>>)
      %mul3A_291 = arith.constant 128 : i32
      %mul3A_292 = arith.muli %add3A_283, %mul3A_291 : i32
      %add3A_293 = arith.addi %mul3A_4, %mul3A_292 : i32
      %dma_start3A_294 = arith.constant 0 : i32
      %dma_start3A_295 = tpu.memref_slice %arg4[%add3A_293, %dma_start3A_294] : memref<819200x128xf32, #tpu.memory_space<hbm>> -> memref<128x128xf32, #tpu.memory_space<hbm>>
      %dma_start3A_296 = arith.constant 0 : i32
      %dma_start3A_297 = tpu.memref_slice %arg4[%add3A_293, %dma_start3A_296] : memref<819200x128xf32, #tpu.memory_space<hbm>> -> memref<128x128xf32, #tpu.memory_space<hbm>>
      tpu.enqueue_dma source(%arg7 : memref<128x128xf32, #tpu.memory_space<vmem>>) target(%dma_start3A_297 : memref<128x128xf32, #tpu.memory_space<hbm>>) target_semaphore(%arg17 : memref<!tpu.dma_semaphore, #tpu.memory_space<semaphore_mem>>)
      %dma_wait3A_298 = arith.constant 0 : i32
      %dma_wait3A_299 = tpu.memref_slice %arg4[%mul3A_4, %dma_wait3A_298] : memref<819200x128xf32, #tpu.memory_space<hbm>> -> memref<128x128xf32, #tpu.memory_space<hbm>>
      %dma_wait3A_300 = arith.constant 0 : i32
      %dma_wait3A_301 = tpu.memref_slice %arg4[%mul3A_4, %dma_wait3A_300] : memref<819200x128xf32, #tpu.memory_space<hbm>> -> memref<128x128xf32, #tpu.memory_space<hbm>>
      tpu.wait_dma2 semaphore(%arg16 : memref<!tpu.dma_semaphore, #tpu.memory_space<semaphore_mem>>) src(%arg6 : memref<128x128xf32, #tpu.memory_space<vmem>>) dst(%dma_wait3A_301 : memref<128x128xf32, #tpu.memory_space<hbm>>)
      %add3A_302 = arith.constant 5 : i32
      %add3A_303 = arith.addi %add3A_283, %add3A_302 : i32
      %sub3A_304 = arith.constant 1 : i32
      %sub3A_305 = arith.subi %add3A_303, %sub3A_304 : i32
      %dma_start3A_306 = arith.constant 0 : i32
      %dma_start3A_307 = tpu.memref_slice %arg5[%sub3A_305, %dma_start3A_306] : memref<200x128xi32, #tpu.memory_space<vmem>> -> memref<1x128xi32, #tpu.memory_space<vmem>>
      %dma_start3A_308 = tpu.memref_squeeze %dma_start3A_307 : memref<1x128xi32, #tpu.memory_space<vmem>> -> memref<128xi32, #tpu.memory_space<vmem>>
      %dma_start3A_309 = arith.constant 0 : i32
      %dma_start3A_310 = arith.constant 0 : i32
      %dma_start3A_311 = tpu.memref_slice %arg2[%dma_start3A_309, %dma_start3A_310] : memref<100000x128xf32, #tpu.memory_space<hbm>> -> memref<100000x128xf32, #tpu.memory_space<hbm>>
      tpu.enqueue_indirect_dma source(%dma_start3A_311 : memref<100000x128xf32, #tpu.memory_space<hbm>>) target(%arg6 : memref<128x128xf32, #tpu.memory_space<vmem>>) offsets(%dma_start3A_308 : memref<128xi32, #tpu.memory_space<vmem>>) semaphore(%arg11 : memref<!tpu.dma_semaphore, #tpu.memory_space<semaphore_mem>>)
      %mul3A_312 = arith.constant 5 : i32
      %mul3A_313 = arith.muli %mul3A_312, %scan3A_248 : i32
      %add3A_314 = arith.constant 2 : i32
      %add3A_315 = arith.addi %mul3A_313, %add3A_314 : i32
      %dma_wait3A_316 = arith.constant 0 : i32
      %dma_wait3A_317 = arith.constant 0 : i32
      %dma_wait3A_318 = tpu.memref_slice %arg5[%dma_wait3A_316, %dma_wait3A_317] : memref<200x128xi32, #tpu.memory_space<vmem>> -> memref<1x128xi32, #tpu.memory_space<vmem>>
      %dma_wait3A_319 = tpu.memref_squeeze %dma_wait3A_318 : memref<1x128xi32, #tpu.memory_space<vmem>> -> memref<128xi32, #tpu.memory_space<vmem>>
      %dma_wait3A_320 = arith.constant 0 : i32
      %dma_wait3A_321 = arith.constant 0 : i32
      %dma_wait3A_322 = tpu.memref_slice %arg2[%dma_wait3A_320, %dma_wait3A_321] : memref<100000x128xf32, #tpu.memory_space<hbm>> -> memref<100000x128xf32, #tpu.memory_space<hbm>>
      tpu.wait_indirect_dma semaphore(%arg13 : memref<!tpu.dma_semaphore, #tpu.memory_space<semaphore_mem>>) src(%dma_wait3A_322 : memref<100000x128xf32, #tpu.memory_space<hbm>>) dst(%arg8 : memref<128x128xf32, #tpu.memory_space<vmem>>)
      %mul3A_323 = arith.constant 128 : i32
      %mul3A_324 = arith.muli %add3A_315, %mul3A_323 : i32
      %add3A_325 = arith.addi %mul3A_4, %mul3A_324 : i32
      %dma_start3A_326 = arith.constant 0 : i32
      %dma_start3A_327 = tpu.memref_slice %arg4[%add3A_325, %dma_start3A_326] : memref<819200x128xf32, #tpu.memory_space<hbm>> -> memref<128x128xf32, #tpu.memory_space<hbm>>
      %dma_start3A_328 = arith.constant 0 : i32
      %dma_start3A_329 = tpu.memref_slice %arg4[%add3A_325, %dma_start3A_328] : memref<819200x128xf32, #tpu.memory_space<hbm>> -> memref<128x128xf32, #tpu.memory_space<hbm>>
      tpu.enqueue_dma source(%arg8 : memref<128x128xf32, #tpu.memory_space<vmem>>) target(%dma_start3A_329 : memref<128x128xf32, #tpu.memory_space<hbm>>) target_semaphore(%arg18 : memref<!tpu.dma_semaphore, #tpu.memory_space<semaphore_mem>>)
      %dma_wait3A_330 = arith.constant 0 : i32
      %dma_wait3A_331 = tpu.memref_slice %arg4[%mul3A_4, %dma_wait3A_330] : memref<819200x128xf32, #tpu.memory_space<hbm>> -> memref<128x128xf32, #tpu.memory_space<hbm>>
      %dma_wait3A_332 = arith.constant 0 : i32
      %dma_wait3A_333 = tpu.memref_slice %arg4[%mul3A_4, %dma_wait3A_332] : memref<819200x128xf32, #tpu.memory_space<hbm>> -> memref<128x128xf32, #tpu.memory_space<hbm>>
      tpu.wait_dma2 semaphore(%arg17 : memref<!tpu.dma_semaphore, #tpu.memory_space<semaphore_mem>>) src(%arg7 : memref<128x128xf32, #tpu.memory_space<vmem>>) dst(%dma_wait3A_333 : memref<128x128xf32, #tpu.memory_space<hbm>>)
      %add3A_334 = arith.constant 5 : i32
      %add3A_335 = arith.addi %add3A_315, %add3A_334 : i32
      %sub3A_336 = arith.constant 1 : i32
      %sub3A_337 = arith.subi %add3A_335, %sub3A_336 : i32
      %dma_start3A_338 = arith.constant 0 : i32
      %dma_start3A_339 = tpu.memref_slice %arg5[%sub3A_337, %dma_start3A_338] : memref<200x128xi32, #tpu.memory_space<vmem>> -> memref<1x128xi32, #tpu.memory_space<vmem>>
      %dma_start3A_340 = tpu.memref_squeeze %dma_start3A_339 : memref<1x128xi32, #tpu.memory_space<vmem>> -> memref<128xi32, #tpu.memory_space<vmem>>
      %dma_start3A_341 = arith.constant 0 : i32
      %dma_start3A_342 = arith.constant 0 : i32
      %dma_start3A_343 = tpu.memref_slice %arg2[%dma_start3A_341, %dma_start3A_342] : memref<100000x128xf32, #tpu.memory_space<hbm>> -> memref<100000x128xf32, #tpu.memory_space<hbm>>
      tpu.enqueue_indirect_dma source(%dma_start3A_343 : memref<100000x128xf32, #tpu.memory_space<hbm>>) target(%arg7 : memref<128x128xf32, #tpu.memory_space<vmem>>) offsets(%dma_start3A_340 : memref<128xi32, #tpu.memory_space<vmem>>) semaphore(%arg12 : memref<!tpu.dma_semaphore, #tpu.memory_space<semaphore_mem>>)
      %mul3A_344 = arith.constant 5 : i32
      %mul3A_345 = arith.muli %mul3A_344, %scan3A_248 : i32
      %add3A_346 = arith.constant 3 : i32
      %add3A_347 = arith.addi %mul3A_345, %add3A_346 : i32
      %dma_wait3A_348 = arith.constant 0 : i32
      %dma_wait3A_349 = arith.constant 0 : i32
      %dma_wait3A_350 = tpu.memref_slice %arg5[%dma_wait3A_348, %dma_wait3A_349] : memref<200x128xi32, #tpu.memory_space<vmem>> -> memref<1x128xi32, #tpu.memory_space<vmem>>
      %dma_wait3A_351 = tpu.memref_squeeze %dma_wait3A_350 : memref<1x128xi32, #tpu.memory_space<vmem>> -> memref<128xi32, #tpu.memory_space<vmem>>
      %dma_wait3A_352 = arith.constant 0 : i32
      %dma_wait3A_353 = arith.constant 0 : i32
      %dma_wait3A_354 = tpu.memref_slice %arg2[%dma_wait3A_352, %dma_wait3A_353] : memref<100000x128xf32, #tpu.memory_space<hbm>> -> memref<100000x128xf32, #tpu.memory_space<hbm>>
      tpu.wait_indirect_dma semaphore(%arg14 : memref<!tpu.dma_semaphore, #tpu.memory_space<semaphore_mem>>) src(%dma_wait3A_354 : memref<100000x128xf32, #tpu.memory_space<hbm>>) dst(%arg9 : memref<128x128xf32, #tpu.memory_space<vmem>>)
      %mul3A_355 = arith.constant 128 : i32
      %mul3A_356 = arith.muli %add3A_347, %mul3A_355 : i32
      %add3A_357 = arith.addi %mul3A_4, %mul3A_356 : i32
      %dma_start3A_358 = arith.constant 0 : i32
      %dma_start3A_359 = tpu.memref_slice %arg4[%add3A_357, %dma_start3A_358] : memref<819200x128xf32, #tpu.memory_space<hbm>> -> memref<128x128xf32, #tpu.memory_space<hbm>>
      %dma_start3A_360 = arith.constant 0 : i32
      %dma_start3A_361 = tpu.memref_slice %arg4[%add3A_357, %dma_start3A_360] : memref<819200x128xf32, #tpu.memory_space<hbm>> -> memref<128x128xf32, #tpu.memory_space<hbm>>
      tpu.enqueue_dma source(%arg9 : memref<128x128xf32, #tpu.memory_space<vmem>>) target(%dma_start3A_361 : memref<128x128xf32, #tpu.memory_space<hbm>>) target_semaphore(%arg19 : memref<!tpu.dma_semaphore, #tpu.memory_space<semaphore_mem>>)
      %dma_wait3A_362 = arith.constant 0 : i32
      %dma_wait3A_363 = tpu.memref_slice %arg4[%mul3A_4, %dma_wait3A_362] : memref<819200x128xf32, #tpu.memory_space<hbm>> -> memref<128x128xf32, #tpu.memory_space<hbm>>
      %dma_wait3A_364 = arith.constant 0 : i32
      %dma_wait3A_365 = tpu.memref_slice %arg4[%mul3A_4, %dma_wait3A_364] : memref<819200x128xf32, #tpu.memory_space<hbm>> -> memref<128x128xf32, #tpu.memory_space<hbm>>
      tpu.wait_dma2 semaphore(%arg18 : memref<!tpu.dma_semaphore, #tpu.memory_space<semaphore_mem>>) src(%arg8 : memref<128x128xf32, #tpu.memory_space<vmem>>) dst(%dma_wait3A_365 : memref<128x128xf32, #tpu.memory_space<hbm>>)
      %add3A_366 = arith.constant 5 : i32
      %add3A_367 = arith.addi %add3A_347, %add3A_366 : i32
      %sub3A_368 = arith.constant 1 : i32
      %sub3A_369 = arith.subi %add3A_367, %sub3A_368 : i32
      %dma_start3A_370 = arith.constant 0 : i32
      %dma_start3A_371 = tpu.memref_slice %arg5[%sub3A_369, %dma_start3A_370] : memref<200x128xi32, #tpu.memory_space<vmem>> -> memref<1x128xi32, #tpu.memory_space<vmem>>
      %dma_start3A_372 = tpu.memref_squeeze %dma_start3A_371 : memref<1x128xi32, #tpu.memory_space<vmem>> -> memref<128xi32, #tpu.memory_space<vmem>>
      %dma_start3A_373 = arith.constant 0 : i32
      %dma_start3A_374 = arith.constant 0 : i32
      %dma_start3A_375 = tpu.memref_slice %arg2[%dma_start3A_373, %dma_start3A_374] : memref<100000x128xf32, #tpu.memory_space<hbm>> -> memref<100000x128xf32, #tpu.memory_space<hbm>>
      tpu.enqueue_indirect_dma source(%dma_start3A_375 : memref<100000x128xf32, #tpu.memory_space<hbm>>) target(%arg8 : memref<128x128xf32, #tpu.memory_space<vmem>>) offsets(%dma_start3A_372 : memref<128xi32, #tpu.memory_space<vmem>>) semaphore(%arg13 : memref<!tpu.dma_semaphore, #tpu.memory_space<semaphore_mem>>)
      %mul3A_376 = arith.constant 5 : i32
      %mul3A_377 = arith.muli %mul3A_376, %scan3A_248 : i32
      %add3A_378 = arith.constant 4 : i32
      %add3A_379 = arith.addi %mul3A_377, %add3A_378 : i32
      %dma_wait3A_380 = arith.constant 0 : i32
      %dma_wait3A_381 = arith.constant 0 : i32
      %dma_wait3A_382 = tpu.memref_slice %arg5[%dma_wait3A_380, %dma_wait3A_381] : memref<200x128xi32, #tpu.memory_space<vmem>> -> memref<1x128xi32, #tpu.memory_space<vmem>>
      %dma_wait3A_383 = tpu.memref_squeeze %dma_wait3A_382 : memref<1x128xi32, #tpu.memory_space<vmem>> -> memref<128xi32, #tpu.memory_space<vmem>>
      %dma_wait3A_384 = arith.constant 0 : i32
      %dma_wait3A_385 = arith.constant 0 : i32
      %dma_wait3A_386 = tpu.memref_slice %arg2[%dma_wait3A_384, %dma_wait3A_385] : memref<100000x128xf32, #tpu.memory_space<hbm>> -> memref<100000x128xf32, #tpu.memory_space<hbm>>
      tpu.wait_indirect_dma semaphore(%arg15 : memref<!tpu.dma_semaphore, #tpu.memory_space<semaphore_mem>>) src(%dma_wait3A_386 : memref<100000x128xf32, #tpu.memory_space<hbm>>) dst(%arg10 : memref<128x128xf32, #tpu.memory_space<vmem>>)
      %mul3A_387 = arith.constant 128 : i32
      %mul3A_388 = arith.muli %add3A_379, %mul3A_387 : i32
      %add3A_389 = arith.addi %mul3A_4, %mul3A_388 : i32
      %dma_start3A_390 = arith.constant 0 : i32
      %dma_start3A_391 = tpu.memref_slice %arg4[%add3A_389, %dma_start3A_390] : memref<819200x128xf32, #tpu.memory_space<hbm>> -> memref<128x128xf32, #tpu.memory_space<hbm>>
      %dma_start3A_392 = arith.constant 0 : i32
      %dma_start3A_393 = tpu.memref_slice %arg4[%add3A_389, %dma_start3A_392] : memref<819200x128xf32, #tpu.memory_space<hbm>> -> memref<128x128xf32, #tpu.memory_space<hbm>>
      tpu.enqueue_dma source(%arg10 : memref<128x128xf32, #tpu.memory_space<vmem>>) target(%dma_start3A_393 : memref<128x128xf32, #tpu.memory_space<hbm>>) target_semaphore(%arg20 : memref<!tpu.dma_semaphore, #tpu.memory_space<semaphore_mem>>)
      %dma_wait3A_394 = arith.constant 0 : i32
      %dma_wait3A_395 = tpu.memref_slice %arg4[%mul3A_4, %dma_wait3A_394] : memref<819200x128xf32, #tpu.memory_space<hbm>> -> memref<128x128xf32, #tpu.memory_space<hbm>>
      %dma_wait3A_396 = arith.constant 0 : i32
      %dma_wait3A_397 = tpu.memref_slice %arg4[%mul3A_4, %dma_wait3A_396] : memref<819200x128xf32, #tpu.memory_space<hbm>> -> memref<128x128xf32, #tpu.memory_space<hbm>>
      tpu.wait_dma2 semaphore(%arg19 : memref<!tpu.dma_semaphore, #tpu.memory_space<semaphore_mem>>) src(%arg9 : memref<128x128xf32, #tpu.memory_space<vmem>>) dst(%dma_wait3A_397 : memref<128x128xf32, #tpu.memory_space<hbm>>)
      %add3A_398 = arith.constant 5 : i32
      %add3A_399 = arith.addi %add3A_379, %add3A_398 : i32
      %sub3A_400 = arith.constant 1 : i32
      %sub3A_401 = arith.subi %add3A_399, %sub3A_400 : i32
      %dma_start3A_402 = arith.constant 0 : i32
      %dma_start3A_403 = tpu.memref_slice %arg5[%sub3A_401, %dma_start3A_402] : memref<200x128xi32, #tpu.memory_space<vmem>> -> memref<1x128xi32, #tpu.memory_space<vmem>>
      %dma_start3A_404 = tpu.memref_squeeze %dma_start3A_403 : memref<1x128xi32, #tpu.memory_space<vmem>> -> memref<128xi32, #tpu.memory_space<vmem>>
      %dma_start3A_405 = arith.constant 0 : i32
      %dma_start3A_406 = arith.constant 0 : i32
      %dma_start3A_407 = tpu.memref_slice %arg2[%dma_start3A_405, %dma_start3A_406] : memref<100000x128xf32, #tpu.memory_space<hbm>> -> memref<100000x128xf32, #tpu.memory_space<hbm>>
      tpu.enqueue_indirect_dma source(%dma_start3A_407 : memref<100000x128xf32, #tpu.memory_space<hbm>>) target(%arg9 : memref<128x128xf32, #tpu.memory_space<vmem>>) offsets(%dma_start3A_404 : memref<128xi32, #tpu.memory_space<vmem>>) semaphore(%arg14 : memref<!tpu.dma_semaphore, #tpu.memory_space<semaphore_mem>>)
    }
    %scan3A_151 = arith.constant 38 : i32
    %dma_wait3A_152 = arith.constant 0 : i32
    %dma_wait3A_153 = arith.constant 0 : i32
    %dma_wait3A_154 = tpu.memref_slice %arg5[%dma_wait3A_152, %dma_wait3A_153] : memref<200x128xi32, #tpu.memory_space<vmem>> -> memref<1x128xi32, #tpu.memory_space<vmem>>
    %dma_wait3A_155 = tpu.memref_squeeze %dma_wait3A_154 : memref<1x128xi32, #tpu.memory_space<vmem>> -> memref<128xi32, #tpu.memory_space<vmem>>
    %dma_wait3A_156 = arith.constant 0 : i32
    %dma_wait3A_157 = arith.constant 0 : i32
    %dma_wait3A_158 = tpu.memref_slice %arg2[%dma_wait3A_156, %dma_wait3A_157] : memref<100000x128xf32, #tpu.memory_space<hbm>> -> memref<100000x128xf32, #tpu.memory_space<hbm>>
    tpu.wait_indirect_dma semaphore(%arg11 : memref<!tpu.dma_semaphore, #tpu.memory_space<semaphore_mem>>) src(%dma_wait3A_158 : memref<100000x128xf32, #tpu.memory_space<hbm>>) dst(%arg6 : memref<128x128xf32, #tpu.memory_space<vmem>>)
    %add3A_159 = arith.constant 24960 : i32
    %add3A_160 = arith.addi %mul3A_4, %add3A_159 : i32
    %dma_start3A_161 = arith.constant 0 : i32
    %dma_start3A_162 = tpu.memref_slice %arg4[%add3A_160, %dma_start3A_161] : memref<819200x128xf32, #tpu.memory_space<hbm>> -> memref<128x128xf32, #tpu.memory_space<hbm>>
    %dma_start3A_163 = arith.constant 0 : i32
    %dma_start3A_164 = tpu.memref_slice %arg4[%add3A_160, %dma_start3A_163] : memref<819200x128xf32, #tpu.memory_space<hbm>> -> memref<128x128xf32, #tpu.memory_space<hbm>>
    tpu.enqueue_dma source(%arg6 : memref<128x128xf32, #tpu.memory_space<vmem>>) target(%dma_start3A_164 : memref<128x128xf32, #tpu.memory_space<hbm>>) target_semaphore(%arg16 : memref<!tpu.dma_semaphore, #tpu.memory_space<semaphore_mem>>)
    %dma_wait3A_165 = arith.constant 0 : i32
    %dma_wait3A_166 = tpu.memref_slice %arg4[%mul3A_4, %dma_wait3A_165] : memref<819200x128xf32, #tpu.memory_space<hbm>> -> memref<128x128xf32, #tpu.memory_space<hbm>>
    %dma_wait3A_167 = arith.constant 0 : i32
    %dma_wait3A_168 = tpu.memref_slice %arg4[%mul3A_4, %dma_wait3A_167] : memref<819200x128xf32, #tpu.memory_space<hbm>> -> memref<128x128xf32, #tpu.memory_space<hbm>>
    tpu.wait_dma2 semaphore(%arg20 : memref<!tpu.dma_semaphore, #tpu.memory_space<semaphore_mem>>) src(%arg10 : memref<128x128xf32, #tpu.memory_space<vmem>>) dst(%dma_wait3A_168 : memref<128x128xf32, #tpu.memory_space<hbm>>)
    %dma_start3A_169 = arith.constant 199 : i32
    %dma_start3A_170 = arith.constant 0 : i32
    %dma_start3A_171 = tpu.memref_slice %arg5[%dma_start3A_169, %dma_start3A_170] : memref<200x128xi32, #tpu.memory_space<vmem>> -> memref<1x128xi32, #tpu.memory_space<vmem>>
    %dma_start3A_172 = tpu.memref_squeeze %dma_start3A_171 : memref<1x128xi32, #tpu.memory_space<vmem>> -> memref<128xi32, #tpu.memory_space<vmem>>
    %dma_start3A_173 = arith.constant 0 : i32
    %dma_start3A_174 = arith.constant 0 : i32
    %dma_start3A_175 = tpu.memref_slice %arg2[%dma_start3A_173, %dma_start3A_174] : memref<100000x128xf32, #tpu.memory_space<hbm>> -> memref<100000x128xf32, #tpu.memory_space<hbm>>
    tpu.enqueue_indirect_dma source(%dma_start3A_175 : memref<100000x128xf32, #tpu.memory_space<hbm>>) target(%arg10 : memref<128x128xf32, #tpu.memory_space<vmem>>) offsets(%dma_start3A_172 : memref<128xi32, #tpu.memory_space<vmem>>) semaphore(%arg15 : memref<!tpu.dma_semaphore, #tpu.memory_space<semaphore_mem>>)
    %dma_wait3A_176 = arith.constant 0 : i32
    %dma_wait3A_177 = arith.constant 0 : i32
    %dma_wait3A_178 = tpu.memref_slice %arg5[%dma_wait3A_176, %dma_wait3A_177] : memref<200x128xi32, #tpu.memory_space<vmem>> -> memref<1x128xi32, #tpu.memory_space<vmem>>
    %dma_wait3A_179 = tpu.memref_squeeze %dma_wait3A_178 : memref<1x128xi32, #tpu.memory_space<vmem>> -> memref<128xi32, #tpu.memory_space<vmem>>
    %dma_wait3A_180 = arith.constant 0 : i32
    %dma_wait3A_181 = arith.constant 0 : i32
    %dma_wait3A_182 = tpu.memref_slice %arg2[%dma_wait3A_180, %dma_wait3A_181] : memref<100000x128xf32, #tpu.memory_space<hbm>> -> memref<100000x128xf32, #tpu.memory_space<hbm>>
    tpu.wait_indirect_dma semaphore(%arg12 : memref<!tpu.dma_semaphore, #tpu.memory_space<semaphore_mem>>) src(%dma_wait3A_182 : memref<100000x128xf32, #tpu.memory_space<hbm>>) dst(%arg7 : memref<128x128xf32, #tpu.memory_space<vmem>>)
    %add3A_183 = arith.constant 25088 : i32
    %add3A_184 = arith.addi %mul3A_4, %add3A_183 : i32
    %dma_start3A_185 = arith.constant 0 : i32
    %dma_start3A_186 = tpu.memref_slice %arg4[%add3A_184, %dma_start3A_185] : memref<819200x128xf32, #tpu.memory_space<hbm>> -> memref<128x128xf32, #tpu.memory_space<hbm>>
    %dma_start3A_187 = arith.constant 0 : i32
    %dma_start3A_188 = tpu.memref_slice %arg4[%add3A_184, %dma_start3A_187] : memref<819200x128xf32, #tpu.memory_space<hbm>> -> memref<128x128xf32, #tpu.memory_space<hbm>>
    tpu.enqueue_dma source(%arg7 : memref<128x128xf32, #tpu.memory_space<vmem>>) target(%dma_start3A_188 : memref<128x128xf32, #tpu.memory_space<hbm>>) target_semaphore(%arg17 : memref<!tpu.dma_semaphore, #tpu.memory_space<semaphore_mem>>)
    %dma_wait3A_189 = arith.constant 0 : i32
    %dma_wait3A_190 = arith.constant 0 : i32
    %dma_wait3A_191 = tpu.memref_slice %arg5[%dma_wait3A_189, %dma_wait3A_190] : memref<200x128xi32, #tpu.memory_space<vmem>> -> memref<1x128xi32, #tpu.memory_space<vmem>>
    %dma_wait3A_192 = tpu.memref_squeeze %dma_wait3A_191 : memref<1x128xi32, #tpu.memory_space<vmem>> -> memref<128xi32, #tpu.memory_space<vmem>>
    %dma_wait3A_193 = arith.constant 0 : i32
    %dma_wait3A_194 = arith.constant 0 : i32
    %dma_wait3A_195 = tpu.memref_slice %arg2[%dma_wait3A_193, %dma_wait3A_194] : memref<100000x128xf32, #tpu.memory_space<hbm>> -> memref<100000x128xf32, #tpu.memory_space<hbm>>
    tpu.wait_indirect_dma semaphore(%arg13 : memref<!tpu.dma_semaphore, #tpu.memory_space<semaphore_mem>>) src(%dma_wait3A_195 : memref<100000x128xf32, #tpu.memory_space<hbm>>) dst(%arg8 : memref<128x128xf32, #tpu.memory_space<vmem>>)
    %add3A_196 = arith.constant 25216 : i32
    %add3A_197 = arith.addi %mul3A_4, %add3A_196 : i32
    %dma_start3A_198 = arith.constant 0 : i32
    %dma_start3A_199 = tpu.memref_slice %arg4[%add3A_197, %dma_start3A_198] : memref<819200x128xf32, #tpu.memory_space<hbm>> -> memref<128x128xf32, #tpu.memory_space<hbm>>
    %dma_start3A_200 = arith.constant 0 : i32
    %dma_start3A_201 = tpu.memref_slice %arg4[%add3A_197, %dma_start3A_200] : memref<819200x128xf32, #tpu.memory_space<hbm>> -> memref<128x128xf32, #tpu.memory_space<hbm>>
    tpu.enqueue_dma source(%arg8 : memref<128x128xf32, #tpu.memory_space<vmem>>) target(%dma_start3A_201 : memref<128x128xf32, #tpu.memory_space<hbm>>) target_semaphore(%arg18 : memref<!tpu.dma_semaphore, #tpu.memory_space<semaphore_mem>>)
    %dma_wait3A_202 = arith.constant 0 : i32
    %dma_wait3A_203 = arith.constant 0 : i32
    %dma_wait3A_204 = tpu.memref_slice %arg5[%dma_wait3A_202, %dma_wait3A_203] : memref<200x128xi32, #tpu.memory_space<vmem>> -> memref<1x128xi32, #tpu.memory_space<vmem>>
    %dma_wait3A_205 = tpu.memref_squeeze %dma_wait3A_204 : memref<1x128xi32, #tpu.memory_space<vmem>> -> memref<128xi32, #tpu.memory_space<vmem>>
    %dma_wait3A_206 = arith.constant 0 : i32
    %dma_wait3A_207 = arith.constant 0 : i32
    %dma_wait3A_208 = tpu.memref_slice %arg2[%dma_wait3A_206, %dma_wait3A_207] : memref<100000x128xf32, #tpu.memory_space<hbm>> -> memref<100000x128xf32, #tpu.memory_space<hbm>>
    tpu.wait_indirect_dma semaphore(%arg14 : memref<!tpu.dma_semaphore, #tpu.memory_space<semaphore_mem>>) src(%dma_wait3A_208 : memref<100000x128xf32, #tpu.memory_space<hbm>>) dst(%arg9 : memref<128x128xf32, #tpu.memory_space<vmem>>)
    %add3A_209 = arith.constant 25344 : i32
    %add3A_210 = arith.addi %mul3A_4, %add3A_209 : i32
    %dma_start3A_211 = arith.constant 0 : i32
    %dma_start3A_212 = tpu.memref_slice %arg4[%add3A_210, %dma_start3A_211] : memref<819200x128xf32, #tpu.memory_space<hbm>> -> memref<128x128xf32, #tpu.memory_space<hbm>>
    %dma_start3A_213 = arith.constant 0 : i32
    %dma_start3A_214 = tpu.memref_slice %arg4[%add3A_210, %dma_start3A_213] : memref<819200x128xf32, #tpu.memory_space<hbm>> -> memref<128x128xf32, #tpu.memory_space<hbm>>
    tpu.enqueue_dma source(%arg9 : memref<128x128xf32, #tpu.memory_space<vmem>>) target(%dma_start3A_214 : memref<128x128xf32, #tpu.memory_space<hbm>>) target_semaphore(%arg19 : memref<!tpu.dma_semaphore, #tpu.memory_space<semaphore_mem>>)
    %dma_wait3A_215 = arith.constant 0 : i32
    %dma_wait3A_216 = arith.constant 0 : i32
    %dma_wait3A_217 = tpu.memref_slice %arg5[%dma_wait3A_215, %dma_wait3A_216] : memref<200x128xi32, #tpu.memory_space<vmem>> -> memref<1x128xi32, #tpu.memory_space<vmem>>
    %dma_wait3A_218 = tpu.memref_squeeze %dma_wait3A_217 : memref<1x128xi32, #tpu.memory_space<vmem>> -> memref<128xi32, #tpu.memory_space<vmem>>
    %dma_wait3A_219 = arith.constant 0 : i32
    %dma_wait3A_220 = arith.constant 0 : i32
    %dma_wait3A_221 = tpu.memref_slice %arg2[%dma_wait3A_219, %dma_wait3A_220] : memref<100000x128xf32, #tpu.memory_space<hbm>> -> memref<100000x128xf32, #tpu.memory_space<hbm>>
    tpu.wait_indirect_dma semaphore(%arg15 : memref<!tpu.dma_semaphore, #tpu.memory_space<semaphore_mem>>) src(%dma_wait3A_221 : memref<100000x128xf32, #tpu.memory_space<hbm>>) dst(%arg10 : memref<128x128xf32, #tpu.memory_space<vmem>>)
    %add3A_222 = arith.constant 25472 : i32
    %add3A_223 = arith.addi %mul3A_4, %add3A_222 : i32
    %dma_start3A_224 = arith.constant 0 : i32
    %dma_start3A_225 = tpu.memref_slice %arg4[%add3A_223, %dma_start3A_224] : memref<819200x128xf32, #tpu.memory_space<hbm>> -> memref<128x128xf32, #tpu.memory_space<hbm>>
    %dma_start3A_226 = arith.constant 0 : i32
    %dma_start3A_227 = tpu.memref_slice %arg4[%add3A_223, %dma_start3A_226] : memref<819200x128xf32, #tpu.memory_space<hbm>> -> memref<128x128xf32, #tpu.memory_space<hbm>>
    tpu.enqueue_dma source(%arg10 : memref<128x128xf32, #tpu.memory_space<vmem>>) target(%dma_start3A_227 : memref<128x128xf32, #tpu.memory_space<hbm>>) target_semaphore(%arg20 : memref<!tpu.dma_semaphore, #tpu.memory_space<semaphore_mem>>)
    %dma_wait3A_228 = arith.constant 0 : i32
    %dma_wait3A_229 = tpu.memref_slice %arg4[%mul3A_4, %dma_wait3A_228] : memref<819200x128xf32, #tpu.memory_space<hbm>> -> memref<128x128xf32, #tpu.memory_space<hbm>>
    %dma_wait3A_230 = arith.constant 0 : i32
    %dma_wait3A_231 = tpu.memref_slice %arg4[%mul3A_4, %dma_wait3A_230] : memref<819200x128xf32, #tpu.memory_space<hbm>> -> memref<128x128xf32, #tpu.memory_space<hbm>>
    tpu.wait_dma2 semaphore(%arg16 : memref<!tpu.dma_semaphore, #tpu.memory_space<semaphore_mem>>) src(%arg6 : memref<128x128xf32, #tpu.memory_space<vmem>>) dst(%dma_wait3A_231 : memref<128x128xf32, #tpu.memory_space<hbm>>)
    %dma_wait3A_232 = arith.constant 0 : i32
    %dma_wait3A_233 = tpu.memref_slice %arg4[%mul3A_4, %dma_wait3A_232] : memref<819200x128xf32, #tpu.memory_space<hbm>> -> memref<128x128xf32, #tpu.memory_space<hbm>>
    %dma_wait3A_234 = arith.constant 0 : i32
    %dma_wait3A_235 = tpu.memref_slice %arg4[%mul3A_4, %dma_wait3A_234] : memref<819200x128xf32, #tpu.memory_space<hbm>> -> memref<128x128xf32, #tpu.memory_space<hbm>>
    tpu.wait_dma2 semaphore(%arg17 : memref<!tpu.dma_semaphore, #tpu.memory_space<semaphore_mem>>) src(%arg7 : memref<128x128xf32, #tpu.memory_space<vmem>>) dst(%dma_wait3A_235 : memref<128x128xf32, #tpu.memory_space<hbm>>)
    %dma_wait3A_236 = arith.constant 0 : i32
    %dma_wait3A_237 = tpu.memref_slice %arg4[%mul3A_4, %dma_wait3A_236] : memref<819200x128xf32, #tpu.memory_space<hbm>> -> memref<128x128xf32, #tpu.memory_space<hbm>>
    %dma_wait3A_238 = arith.constant 0 : i32
    %dma_wait3A_239 = tpu.memref_slice %arg4[%mul3A_4, %dma_wait3A_238] : memref<819200x128xf32, #tpu.memory_space<hbm>> -> memref<128x128xf32, #tpu.memory_space<hbm>>
    tpu.wait_dma2 semaphore(%arg18 : memref<!tpu.dma_semaphore, #tpu.memory_space<semaphore_mem>>) src(%arg8 : memref<128x128xf32, #tpu.memory_space<vmem>>) dst(%dma_wait3A_239 : memref<128x128xf32, #tpu.memory_space<hbm>>)
    %dma_wait3A_240 = arith.constant 0 : i32
    %dma_wait3A_241 = tpu.memref_slice %arg4[%mul3A_4, %dma_wait3A_240] : memref<819200x128xf32, #tpu.memory_space<hbm>> -> memref<128x128xf32, #tpu.memory_space<hbm>>
    %dma_wait3A_242 = arith.constant 0 : i32
    %dma_wait3A_243 = tpu.memref_slice %arg4[%mul3A_4, %dma_wait3A_242] : memref<819200x128xf32, #tpu.memory_space<hbm>> -> memref<128x128xf32, #tpu.memory_space<hbm>>
    tpu.wait_dma2 semaphore(%arg19 : memref<!tpu.dma_semaphore, #tpu.memory_space<semaphore_mem>>) src(%arg9 : memref<128x128xf32, #tpu.memory_space<vmem>>) dst(%dma_wait3A_243 : memref<128x128xf32, #tpu.memory_space<hbm>>)
    %dma_wait3A_244 = arith.constant 0 : i32
    %dma_wait3A_245 = tpu.memref_slice %arg4[%mul3A_4, %dma_wait3A_244] : memref<819200x128xf32, #tpu.memory_space<hbm>> -> memref<128x128xf32, #tpu.memory_space<hbm>>
    %dma_wait3A_246 = arith.constant 0 : i32
    %dma_wait3A_247 = tpu.memref_slice %arg4[%mul3A_4, %dma_wait3A_246] : memref<819200x128xf32, #tpu.memory_space<hbm>> -> memref<128x128xf32, #tpu.memory_space<hbm>>
    tpu.wait_dma2 semaphore(%arg20 : memref<!tpu.dma_semaphore, #tpu.memory_space<semaphore_mem>>) src(%arg10 : memref<128x128xf32, #tpu.memory_space<vmem>>) dst(%dma_wait3A_247 : memref<128x128xf32, #tpu.memory_space<hbm>>)
    return
  }
}

</mosaic_0001>

<sc_bundles>
// kernel: kernel.3.cloned.1.call-start
scs
__scs_entry_jumppad:
0x0: {  	(pc) =	sbr.rel $0x88, $3  }
0x1: {  	(tag) =	ssettag $0x0;
	lr =	simm.s32 $0x1  }
0x2: {  	[smem:$0x3F9F] =	sst lr;
	_ =	strace $0xD0000000  }
0x3: {  	_ = 	snop  }
0x4: {  	_ = 	snop  }
0x5: {  	_ = 	snop  }
0x6: {  	_ = 	snop  }
0x7: {  	_ = 	snop  }
__scs_overlays_trampoline_lowered:
0x8: {  	[smem:$0x3FAE] =	sst s0  }
0x9: {  	[smem:$0x3FAF] =	sst s1  }
0xa: {  	[smem:$0x3FB0] =	sst s2  }
0xb: {  	[smem:$0x3FB1] =	sst s3  }
0xc: {  	[smem:$0x3FB2] =	sst s4  }
0xd: {  	[smem:$0x3FB3] =	sst s5  }
0xe: {  	[smem:$0x3FB4] =	sst s6  }
0xf: {  	[smem:$0x3FB5] =	sst s7  }
0x10: {  	[smem:$0x3FB6] =	sst s8  }
0x11: {  	[smem:$0x3FB7] =	sst s9;
	s0 =	simm.s32 @!p0 $0x0  }
0x12: {  	s1 =	sld [smem:$0x3F9D];
	s0 =	simm.s32 @p0 $0x1  }
0x13: {  	[smem:$0x3FB8] =	sst s0;
	s0 =	simm.s32 @!p1 $0x0  }
0x14: {  	s2 =	sld [smem:$0x3F9C];
	s0 =	simm.s32 @p1 $0x1  }
0x15: {  	[smem:$0x3FB9] =	sst s0;
	s0 =	simm.s32 @!p2 $0x0  }
0x16: {  	s3 =	sld [smem:$0x3FDB];
	s0 =	simm.s32 @p2 $0x1  }
0x17: {  	s4 =	simm.s32 $0x1BF5;
	[smem:$0x3FBB] =	sst s0  }
0x18: {  	s0 =	sld [smem:$0x3F9E];
	_ =	swait.ge [sflag:s4], $0x0  }
0x19: {  	s7 =	sld [smem:$0x3F9F]  }
0x1a: {  	s8 =	sadd.s32 $0xFFFFE003, lr  }
0x1b: {  	s9 =	sadd.s32 $0xFFFFFEF7, lr;
	s5 =	simm.s32 $0xFFFFFFFF;
	p2 =	slt.u32 s8, $0xFFFFF086  }
0x1c: {  	p1 =	slt.u32 s9, $0xF7A;
	s5 =	simm.s32 @!p2 $0x0  }
0x1d: {  	s5 =	simm.s32 @p1 $0x1;
	p0 =	seq.s32 s7, s2  }
0x1e: {  	s7 =	smul.u32 @!p0 $0xF7A, s2;
	p2 =	seq.s32 @!p0 s5, $0x0  }
0x1f: {  	s9 =	smul.u32 $0xF7A, s1;
	s8 =	simm.s32 @!p0 $0x1BF5;
	p2 =	por !p2, p0  }
0x20: {  	[sflag:s8] =	ssyncset.s32 @!p0 $0xFFFFF086;
	s6 =	sadd.s32 @!p0 s3, s7;
	s7 =	simm.s32 @!p0 $0x108  }
0x21: {  	s3 =	sadd.s32 s3, s9;
	s6 =	sadd.s32 @!p0 $0x88, s6;
	s7 =	simm.s32 @p2 $0x1082  }
0x22: {  	[simem:s7], [sflag:s8] =	dma.local @!p0 [hbm:s6], $0xF7A  }
0x23: {  	s9 =	sor.u32 $0xD0000000, s2;
	s6 =	simm.s32 $0x108;
	_ =	swait.ge @!p0 [sflag:s8], $0x0  }
0x24: {  	s3 =	sadd.s32 $0x88, s3;
	s6 =	simm.s32 @!p1 $0x1082;
	[sflag:s4] =	ssyncset.s32 $0xFFFFF086  }
0x25: {  	[simem:s6], [sflag:s4] =	dma.local [hbm:s3], $0xF7A  }
0x26: {  	[smem:$0x3F9F] =	sst s1;
	(tag) =	ssettag s2;
	_ =	strace s9  }
0x27: {  	s1 =	sld [smem:$0x3FAF]  }
0x28: {  	s2 =	sld [smem:$0x3FB0]  }
0x29: {  	s4 =	sld [smem:$0x3FB2]  }
0x2a: {  	p0 =	seq.s32 s5, $0x0;
	s5 =	sld [smem:$0x3FB3]  }
0x2b: {  	s6 =	sld [smem:$0x3FB4]  }
0x2c: {  	s7 =	sld [smem:$0x3FB5]  }
0x2d: {  	s3 =	simm.s32 $0x108;
	s8 =	sld [smem:$0x3FB6]  }
0x2e: {  	s3 =	simm.s32 @!p0 $0x1082;
	s9 =	sld [smem:$0x3FB7]  }
0x2f: {  	lr =	sadd.s32 s0, s3;
	s0 =	sld [smem:$0x3FAE]  }
0x30: {  	s3 =	sld [smem:$0x3FB1]  }
0x31: {  	[smem:$0x3FBA] =	sst s10  }
0x32: {  	s10 =	sld [smem:$0x3FB8];
	_ =	sdelay $0x3  }
0x33: {  	p0 =	seq.s32 s10, $0x1;
	s10 =	sld [smem:$0x3FBA];
	_ =	sdelay $0x3  }
0x34: {  	[smem:$0x3FBA] =	sst s10  }
0x35: {  	s10 =	sld [smem:$0x3FB9];
	_ =	sdelay $0x3  }
0x36: {  	p1 =	seq.s32 s10, $0x1;
	s10 =	sld [smem:$0x3FBA];
	_ =	sdelay $0x3  }
0x37: {  	[smem:$0x3FBA] =	sst s10  }
0x38: {  	s10 =	sld [smem:$0x3FBB]  }
0x39: {  	_ = 	snop;
	(pc) =	sbr.ind lr, $3  }
0x3a: {  	_ = 	snop  }
0x3b: {  	_ = 	snop  }
0x3c: {  	p2 =	seq.s32 s10, $0x1;
	s10 =	sld [smem:$0x3FBA]  }
0x3d: {  	_ =	shalt  }
0x3e: {  	_ =	shalt  }
0x3f: {  	_ =	shalt  }
0x40: {  	_ =	shalt  }
0x41: {  	_ =	shalt  }
0x42: {  	_ =	shalt  }
0x43: {  	_ =	shalt  }
0x44: {  	_ =	shalt  }
0x45: {  	_ =	shalt  }
0x46: {  	_ =	shalt  }
0x47: {  	_ =	shalt  }
0x48: {  	_ =	shalt  }
0x49: {  	_ =	shalt  }
0x4a: {  	_ =	shalt  }
0x4b: {  	_ =	shalt  }
0x4c: {  	_ =	shalt  }
0x4d: {  	_ =	shalt  }
0x4e: {  	_ =	shalt  }
0x4f: {  	_ =	shalt  }
0x50: {  	_ =	shalt  }
0x51: {  	_ =	shalt  }
0x52: {  	_ =	shalt  }
0x53: {  	_ =	shalt  }
0x54: {  	_ =	shalt  }
0x55: {  	_ =	shalt  }
0x56: {  	_ =	shalt  }
0x57: {  	_ =	shalt  }
0x58: {  	_ =	shalt  }
0x59: {  	_ =	shalt  }
0x5a: {  	_ =	shalt  }
0x5b: {  	_ =	shalt  }
0x5c: {  	_ =	shalt  }
0x5d: {  	_ =	shalt  }
0x5e: {  	_ =	shalt  }
0x5f: {  	_ =	shalt  }
0x60: {  	_ =	shalt  }
0x61: {  	_ =	shalt  }
0x62: {  	_ =	shalt  }
0x63: {  	_ =	shalt  }
0x64: {  	_ =	shalt  }
0x65: {  	_ =	shalt  }
0x66: {  	_ =	shalt  }
0x67: {  	_ =	shalt  }
0x68: {  	_ =	shalt  }
0x69: {  	_ =	shalt  }
0x6a: {  	_ =	shalt  }
0x6b: {  	_ =	shalt  }
0x6c: {  	_ =	shalt  }
0x6d: {  	_ =	shalt  }
0x6e: {  	_ =	shalt  }
0x6f: {  	_ =	shalt  }
0x70: {  	_ =	shalt  }
0x71: {  	_ =	shalt  }
0x72: {  	_ =	shalt  }
0x73: {  	_ =	shalt  }
0x74: {  	_ =	shalt  }
0x75: {  	_ =	shalt  }
0x76: {  	_ =	shalt  }
0x77: {  	_ =	shalt  }
0x78: {  	_ =	shalt  }
0x79: {  	_ =	shalt  }
0x7a: {  	_ =	shalt  }
0x7b: {  	_ =	shalt  }
0x7c: {  	_ =	shalt  }
0x7d: {  	_ =	shalt  }
0x7e: {  	_ =	shalt  }
0x7f: {  	_ =	shalt  }
0x80: {  	_ =	shalt  }
0x81: {  	_ =	shalt  }
0x82: {  	_ =	shalt  }
0x83: {  	_ =	shalt  }
0x84: {  	_ =	shalt  }
0x85: {  	_ =	shalt  }
0x86: {  	_ =	shalt  }
0x87: {  	_ =	shalt  }
.Lfunc_end0:
.L_simem_size_0:
called_computation_lowered:
.L_overlay_start_0:
0x88: {  	s2 =	sld [smem:$0x3FD9]  }
0x89: {  	s3 =	sld [smem:$0x3FFE];
	_ =	sdelay $0x1  }
0x8a: {  	s1 =	srdreg.scid  }
0x8b: {  	s0 =	sand.u32 $0x1, s1  }
0x8c: {  	s17 =	sshll.u32 s0, $0xA;
	s2 =	sadd.s32 s3, s2  }
0x8d: {  	s2 =	sadd.s32 s2, s17  }
0x8e: {  	[smem:$0x3FC6] =	sst s2  }
0x8f: {  	_ = 	snop  }
0x90: {  	s2 =	sld [smem:$0x3FC8]  }
0x91: {  	s18 =	sld [smem:$0x3FD0];
	(tm) =	ssettm $0x1  }
0x92: {  	s4 =	sld [smem:$0x3FFB];
	_ =	sdelay $0x3  }
0x93: {  	_ =	strace s4  }
0x94: {  	s4 =	sld [smem:$0x3FFC];
	_ =	sdelay $0x3  }
0x95: {  	_ =	strace s4  }
0x96: {  	s4 =	sld [smem:$0x3FFD];
	_ =	sdelay $0x3  }
0x97: {  	_ =	strace s4  }
0x98: {  	_ =	strace $0x8FFFFFFF  }
0x99: {  	s19 =	sld [smem:$0x3FDB];
	_ =	sdelay $0x1  }
0x9a: {  	s5 =	simm.s32 $_scs_section_size  }
0x9b: {  	s6 =	simm.s32 $_size__tile_overlayer_lowered;
	s7 =	simm.s32 $_tile_overlayer_lowered  }
0x9c: {  	s22 =	simm.s32 $0x1BFF;
	s21 =	sshll.u32 s7, $0x1;
	s4 =	sadd.s32 s5, s19  }
0x9d: {  	s8 =	simm.s32 $0x0;
	s20 =	sshll.u32 s6, $0x1;
	s6 =	sadd.s32 s21, s4  }
0x9e: {  	[timem:s8], [sflag:s22] =	dma.local [hbm:s6], s20  }
0x9f: {  	_ =	swait.ge [sflag:s22], s20  }
0xa0: {  	s5 =	ssub.s32 $0x0, s20;
	[sflag:s22] =	ssyncset.done $0x0  }
0xa1: {  	[sflag:s22] =	ssyncadd.s32 s5;
	_ =	sdelay $0x1  }
0xa2: {  	s23 =	simm.s32 $0x1B8B  }
0xa3: {  	_ =	swait.ge [sflag:s23], $0x1  }
0xa4: {  	[sflag:s23] =	ssyncset.done $0x0  }
0xa5: {  	s25 =	simm.s32 $0x1B8E;
	s24 =	sld [smem:$0x3FFE];
	[sflag:s23] =	ssyncadd.s32 $0xFFFFFFFF  }
0xa6: {  	s26 =	simm.s32 $execute0_lowered;
	[smem:$0x3FD2] =	sst s25  }
0xa7: {  	s6 =	sshll.u32 s26, $0x1;
	_ =	strace $0x80000046;
	[dreg:$0x1] =	wrdreg $0xFFFFFFFF  }
0xa8: {  	s28 =	simm.s32 $_size_execute0_lowered;
	s4 =	sadd.s32 s4, s6;
	[dreg:$0x0] =	wrdreg $0x0  }
0xa9: {  	s6 =	sshll.u32 s28, $0x1;
	[dreg:$0x2] =	wrdreg s4  }
0xaa: {  	[dreg:$0x3] =	wrdreg s6  }
0xab: {  	[dreg:$0x4] =	wrdreg $0xC0  }
0xac: {  	_ =	task [dreg:s8], $0x5FFFF  }
0xad: {  	[dreg:$0x1] =	wrdreg $0xFFFFFFFF  }
0xae: {  	[dreg:$0x0] =	wrdreg $0x60  }
0xaf: {  	[dreg:$0x2] =	wrdreg s2  }
0xb0: {  	[dreg:$0x3] =	wrdreg s24  }
0xb1: {  	[dreg:$0x4] =	wrdreg s18  }
0xb2: {  	[dreg:$0x5] =	wrdreg $0x9  }
0xb3: {  	_ =	task.clear_ibuf [dreg:s8], $0x6FFFF;
	_ =	strace $0x90000046  }
0xb4: {  	s29 =	simm.s32 $0x9;
	_ =	strace $0x80000048  }
0xb5: {  	_ =	swait.ge [sflag:s29], $0x1  }
0xb6: {  	[sflag:s29] =	ssyncadd.s32 $0xFFFFFFFF  }
0xb7: {  	_ =	strace $0x90000048  }
0xb8: {  	_ =	sfence  }
0xb9: {  	s30 =	sld [smem:$0x0];
	_ =	sdelay $0x2  }
0xba: {  	s31 =	sshll.u32 s1, $0xD;
	s1 =	sshrl.u32 s1, $0x2  }
0xbb: {  	s3 =	sand.u32 $0x4000, s31;
	s1 =	sadd.s32 s1, s30  }
0xbc: {  	s0 =	sor.u32 s3, s0;
	s1 =	sshll.u32 s1, $0x11  }
0xbd: {  	s0 =	sor.u32 s1, s0  }
0xbe: {  	s0 =	sadd.s32 $0x8F2B, s0  }
0xbf: {  	[sflag:s0] =	ssyncadd.remote.s32 $0x1  }
0xc0: {  	_ =	sfence.sel $0xFFFF  }
0xc1: {  	[dreg:$0x0] =	wrdreg $0xFFFFFFFF;
	(pc) =	sbr.abs _section_cstart, $3  }
0xc2: {  	[dreg:$0x1] =	wrdreg $0xFFFFFFFF  }
0xc3: {  	_ =	task.clear_ibuf [dreg:s8], $0x2FFFF;
	_ =	strace $0x9FFFFFFF  }
0xc4: {  	(tm) =	ssettm $0x7FFFFFFF  }
0xc5: {  	_ =	shalt  }
tec
execute0_lowered:
.L_overlay_start_1:
0x0: {  	(tag) =	ssettag $0x1  }
0x1: {  	s1 =	rddreg [dreg:$0x0];
	s0 =	srdreg.scid  }
0x2: {  	s10 =	stileid.u32;
	s2 =	rddreg [dreg:$0x1]  }
0x3: {  	s5 =	rddreg [dreg:$0x2];
	s17 =	simm.s32 $0xB;
	s18 =	simm.s32 $0x80  }
0x4: {  	s28 =	simm.s32 $0x16400;
	s29 =	simm.s32 $0x2;
	s30 =	simm.s32 $0x6  }
0x5: {  	s0 =	sand.u32 $0x1, s0;
	s3 =	sshll.u32 s10, $0x1;
	s25 =	smul.u32 $0xC8000, s10  }
0x6: {  	s6 =	sor.u32 s0, s3;
	s8 =	ssub.s32 $0x2, s0;
	s0 =	smul.u32 $0x64000, s0  }
0x7: {  	s31 =	simm.s32 $0x9;
	s3 =	simm.s32 $0x0;
	s4 =	smul.u32 $0xC80, s6  }
0x8: {  	[smem:$0x7FF] =	sst s3;
	s7 =	smul.u32 $0x64000, s6;
	s9 =	sshrl.u32 s8, $0x1  }
0x9: {  	s6 =	smul.u32 $0x320000, s6;
	_ =	strace $0x80000047;
	s2 =	sadd.s32 s4, s2  }
0xa: {  	s19 =	ssub.s32 s8, s9;
	s4 =	sadd.s32 s5, s7;
	s2 =	sadd.s32 $0x400, s2  }
0xb: {  	s23 =	sshrl.u32 s6, $0x3;
	s20 =	sadd.s32 $0x800, s4;
	[dreg:$0x4] =	wrdreg s2  }
0xc: {  	s15 =	smax.u32 s19, $0x1;
	s21 =	sadd.s32 $0x1000, s4;
	[dreg:$0x5] =	wrdreg s20  }
0xd: {  	s19 =	simm.s32 $0x6400;
	s22 =	sadd.s32 $0x1800, s4;
	[dreg:$0x6] =	wrdreg s21  }
0xe: {  	s6 =	simm.s32 $0x0;
	s24 =	sadd.s32 $0x2000, s4;
	[dreg:$0x7] =	wrdreg s22  }
0xf: {  	[dreg:$0x8] =	wrdreg s24;
	s2 =	sadd.s32 s5, s23;
	s5 =	sadd.s32 s25, s5  }
0x10: {  	s20 =	simm.s32 $0xA400;
	s22 =	simm.s32 $0xE400;
	s24 =	simm.s32 $0x12400  }
0x11: {  	s25 =	simm.s32 $0x1;
	s23 =	simm.s32 $0x4;
	s21 =	simm.s32 $0x5  }
0x12: {  	s26 =	sadd.s32 $0x61800, s2;
	s11 =	sadd.s32 $0x62000, s2;
	s12 =	sadd.s32 $0x62800, s2  }
0x13: {  	s13 =	sadd.s32 $0x63000, s2;
	s14 =	sadd.s32 $0x63800, s2;
	s0 =	sadd.s32 s0, s5  }
0x14: {  	s2 =	simm.s32 $0x3;
	s5 =	simm.s32 $0xA;
	[dreg:$0x9] =	wrdreg s26  }
0x15: {  	s16 =	sadd.s32 $0x4800, s0;
	s0 =	simm.s32 $0x7;
	s26 =	simm.s32 $0x8  }
.LBB2_1:
0x16: {  	s7 =	rddreg [dreg:$0x4]  }
0x17: {  	[tilespmem:s3], [sflag:$0xB] =	stream.linear.gather [hbm4b:s7+s3], $0x6400, $0x38;
	[tilespmem:$0x1A400] =	vst v63  }
0x18: {  	_ =	swait.ge [sflag:s17], $0x6400  }
0x19: {  	[sflag:s17] =	ssyncset.done $0x0  }
0x1a: {  	[sflag:s17] =	ssyncadd.s32 $0xFFFF9C00  }
0x1b: {  	[tilespmem:s19], [sflag:$0x1] =	stream.indirect.gather [hbm4b:s1+s18], $0x80, s3, s18, $0xb8;
	[tilespmem:$0x1A400] =	vst v63  }
0x1c: {  	_ = 	snop  }
0x1d: {  	[tilespmem:s20], [sflag:$0x2] =	stream.indirect.gather [hbm4b:s1+s18], $0x80, s18, s18, $0xb8;
	[tilespmem:$0x1A400] =	vst v63  }
0x1e: {  	s10 =	simm.s32 $0x100  }
0x1f: {  	[tilespmem:s22], [sflag:$0x3] =	stream.indirect.gather [hbm4b:s1+s18], $0x80, s10, s18, $0xb8;
	[tilespmem:$0x1A400] =	vst v63  }
0x20: {  	s8 =	simm.s32 $0x180  }
0x21: {  	[tilespmem:s24], [sflag:$0x4] =	stream.indirect.gather [hbm4b:s1+s18], $0x80, s8, s18, $0xb8;
	[tilespmem:$0x1A400] =	vst v63  }
0x22: {  	_ =	swait.ge [sflag:s25], $0x4000  }
0x23: {  	[sflag:s25] =	ssyncset.done $0x0  }
0x24: {  	[sflag:s25] =	ssyncadd.s32 $0xFFFFC000  }
0x25: {  	[hbm4b:s4+s3] =	stream.linear.scatter [tilespmem:s19], [sflag:$0x6], $0x4000, $0x38;
	[tilespmem:$0x1A400] =	vst v63  }
0x26: {  	s9 =	simm.s32 $0x200  }
0x27: {  	[tilespmem:s28], [sflag:$0x5] =	stream.indirect.gather [hbm4b:s1+s18], $0x80, s9, s18, $0xb8;
	[tilespmem:$0x1A400] =	vst v63  }
0x28: {  	_ =	swait.ge [sflag:s29], $0x4000  }
0x29: {  	[sflag:s29] =	ssyncset.done $0x0  }
0x2a: {  	s10 =	rddreg [dreg:$0x5];
	[sflag:s29] =	ssyncadd.s32 $0xFFFFC000  }
0x2b: {  	[hbm4b:s10+s3] =	stream.linear.scatter [tilespmem:s20], [sflag:$0x7], $0x4000, $0x38;
	[tilespmem:$0x1A400] =	vst v63  }
0x2c: {  	_ =	swait.ge [sflag:s30], $0x4000  }
0x2d: {  	[sflag:s30] =	ssyncset.done $0x0  }
0x2e: {  	s8 =	simm.s32 $0x280;
	[sflag:s30] =	ssyncadd.s32 $0xFFFFC000  }
0x2f: {  	[tilespmem:s19], [sflag:$0x1] =	stream.indirect.gather [hbm4b:s1+s18], $0x80, s8, s18, $0xb8;
	[tilespmem:$0x1A400] =	vst v63  }
0x30: {  	_ =	swait.ge [sflag:s2], $0x4000  }
0x31: {  	[sflag:s2] =	ssyncset.done $0x0  }
0x32: {  	s9 =	rddreg [dreg:$0x6];
	[sflag:s2] =	ssyncadd.s32 $0xFFFFC000  }
0x33: {  	[hbm4b:s9+s3] =	stream.linear.scatter [tilespmem:s22], [sflag:$0x8], $0x4000, $0x38;
	[tilespmem:$0x1A400] =	vst v63  }
0x34: {  	_ =	swait.ge [sflag:s0], $0x4000  }
0x35: {  	[sflag:s0] =	ssyncset.done $0x0  }
0x36: {  	s10 =	simm.s32 $0x300;
	[sflag:s0] =	ssyncadd.s32 $0xFFFFC000  }
0x37: {  	[tilespmem:s20], [sflag:$0x2] =	stream.indirect.gather [hbm4b:s1+s18], $0x80, s10, s18, $0xb8;
	[tilespmem:$0x1A400] =	vst v63  }
0x38: {  	_ =	swait.ge [sflag:s23], $0x4000  }
0x39: {  	[sflag:s23] =	ssyncset.done $0x0  }
0x3a: {  	s8 =	rddreg [dreg:$0x7];
	[sflag:s23] =	ssyncadd.s32 $0xFFFFC000  }
0x3b: {  	[hbm4b:s8+s3] =	stream.linear.scatter [tilespmem:s24], [sflag:$0x9], $0x4000, $0x38;
	[tilespmem:$0x1A400] =	vst v63  }
0x3c: {  	_ =	swait.ge [sflag:s26], $0x4000  }
0x3d: {  	[sflag:s26] =	ssyncset.done $0x0  }
0x3e: {  	s9 =	simm.s32 $0x380;
	[sflag:s26] =	ssyncadd.s32 $0xFFFFC000  }
0x3f: {  	[tilespmem:s22], [sflag:$0x3] =	stream.indirect.gather [hbm4b:s1+s18], $0x80, s9, s18, $0xb8;
	[tilespmem:$0x1A400] =	vst v63  }
0x40: {  	_ =	swait.ge [sflag:s21], $0x4000  }
0x41: {  	[sflag:s21] =	ssyncset.done $0x0  }
0x42: {  	s10 =	rddreg [dreg:$0x8];
	[sflag:s21] =	ssyncadd.s32 $0xFFFFC000  }
0x43: {  	[hbm4b:s10+s3] =	stream.linear.scatter [tilespmem:s28], [sflag:$0xA], $0x4000, $0x38;
	[tilespmem:$0x1A400] =	vst v63  }
0x44: {  	_ =	swait.ge [sflag:s31], $0x4000  }
0x45: {  	[sflag:s31] =	ssyncset.done $0x0  }
0x46: {  	s8 =	simm.s32 $0x400;
	[sflag:s31] =	ssyncadd.s32 $0xFFFFC000  }
0x47: {  	[tilespmem:s24], [sflag:$0x4] =	stream.indirect.gather [hbm4b:s1+s18], $0x80, s8, s18, $0xb8;
	[tilespmem:$0x1A400] =	vst v63  }
0x48: {  	_ =	swait.ge [sflag:s25], $0x4000  }
0x49: {  	[sflag:s25] =	ssyncset.done $0x0  }
0x4a: {  	s9 =	sadd.s32 $0xFFFFE000, s16;
	[sflag:s25] =	ssyncadd.s32 $0xFFFFC000  }
0x4b: {  	[hbm4b:s9+s3] =	stream.linear.scatter [tilespmem:s19], [sflag:$0x6], $0x4000, $0x38;
	[tilespmem:$0x1A400] =	vst v63  }
0x4c: {  	_ =	swait.ge [sflag:s5], $0x4000  }
0x4d: {  	[sflag:s5] =	ssyncset.done $0x0  }
0x4e: {  	s10 =	simm.s32 $0x480;
	[sflag:s5] =	ssyncadd.s32 $0xFFFFC000  }
0x4f: {  	[tilespmem:s28], [sflag:$0x5] =	stream.indirect.gather [hbm4b:s1+s18], $0x80, s10, s18, $0xb8;
	[tilespmem:$0x1A400] =	vst v63  }
0x50: {  	_ =	swait.ge [sflag:s29], $0x4000  }
0x51: {  	[sflag:s29] =	ssyncset.done $0x0  }
0x52: {  	s8 =	sadd.s32 $0xFFFFE800, s16;
	[sflag:s29] =	ssyncadd.s32 $0xFFFFC000  }
0x53: {  	[hbm4b:s8+s3] =	stream.linear.scatter [tilespmem:s20], [sflag:$0x7], $0x4000, $0x38;
	[tilespmem:$0x1A400] =	vst v63  }
0x54: {  	_ =	swait.ge [sflag:s30], $0x4000  }
0x55: {  	[sflag:s30] =	ssyncset.done $0x0  }
0x56: {  	s9 =	simm.s32 $0x500;
	[sflag:s30] =	ssyncadd.s32 $0xFFFFC000  }
0x57: {  	[tilespmem:s19], [sflag:$0x1] =	stream.indirect.gather [hbm4b:s1+s18], $0x80, s9, s18, $0xb8;
	[tilespmem:$0x1A400] =	vst v63  }
0x58: {  	_ =	swait.ge [sflag:s2], $0x4000  }
0x59: {  	[sflag:s2] =	ssyncset.done $0x0  }
0x5a: {  	s10 =	sadd.s32 $0xFFFFF000, s16;
	[sflag:s2] =	ssyncadd.s32 $0xFFFFC000  }
0x5b: {  	[hbm4b:s10+s3] =	stream.linear.scatter [tilespmem:s22], [sflag:$0x8], $0x4000, $0x38;
	[tilespmem:$0x1A400] =	vst v63  }
0x5c: {  	_ =	swait.ge [sflag:s0], $0x4000  }
0x5d: {  	[sflag:s0] =	ssyncset.done $0x0  }
0x5e: {  	s8 =	simm.s32 $0x580;
	[sflag:s0] =	ssyncadd.s32 $0xFFFFC000  }
0x5f: {  	[tilespmem:s20], [sflag:$0x2] =	stream.indirect.gather [hbm4b:s1+s18], $0x80, s8, s18, $0xb8;
	[tilespmem:$0x1A400] =	vst v63  }
0x60: {  	_ =	swait.ge [sflag:s23], $0x4000  }
0x61: {  	[sflag:s23] =	ssyncset.done $0x0  }
0x62: {  	s9 =	sadd.s32 $0xFFFFF800, s16;
	[sflag:s23] =	ssyncadd.s32 $0xFFFFC000  }
0x63: {  	[hbm4b:s9+s3] =	stream.linear.scatter [tilespmem:s24], [sflag:$0x9], $0x4000, $0x38;
	[tilespmem:$0x1A400] =	vst v63  }
0x64: {  	_ =	swait.ge [sflag:s26], $0x4000  }
0x65: {  	[sflag:s26] =	ssyncset.done $0x0  }
0x66: {  	s10 =	simm.s32 $0x600;
	[sflag:s26] =	ssyncadd.s32 $0xFFFFC000  }
0x67: {  	[tilespmem:s22], [sflag:$0x3] =	stream.indirect.gather [hbm4b:s1+s18], $0x80, s10, s18, $0xb8;
	[tilespmem:$0x1A400] =	vst v63  }
0x68: {  	_ =	swait.ge [sflag:s21], $0x4000  }
0x69: {  	[sflag:s21] =	ssyncset.done $0x0  }
0x6a: {  	[sflag:s21] =	ssyncadd.s32 $0xFFFFC000  }
0x6b: {  	[hbm4b:s16+s3] =	stream.linear.scatter [tilespmem:s28], [sflag:$0xA], $0x4000, $0x38;
	[tilespmem:$0x1A400] =	vst v63  }
0x6c: {  	_ =	swait.ge [sflag:s31], $0x4000  }
0x6d: {  	s7 =	simm.s32 $0xA00;
	[sflag:s31] =	ssyncset.done $0x0  }
0x6e: {  	s8 =	sadd.s32 $0x2800, s16;
	s9 =	simm.s32 $0x680;
	[sflag:s31] =	ssyncadd.s32 $0xFFFFC000  }
.LBB2_2:
0x6f: {  	[tilespmem:s24], [sflag:$0x4] =	stream.indirect.gather [hbm4b:s1+s18], $0x80, s9, s18, $0xb8;
	[tilespmem:$0x1A400] =	vst v63  }
0x70: {  	s9 =	smov.u32 s7  }
0x71: {  	p0 =	sne.s32 s7, $0x17200;
	s7 =	sadd.s32 $0xA00, s7;
	_ =	swait.ge [sflag:s25], $0x4000  }
0x72: {  	[sflag:s25] =	ssyncset.done $0x0  }
0x73: {  	s10 =	sadd.s32 $0xFFFFE000, s8;
	[sflag:s25] =	ssyncadd.s32 $0xFFFFC000  }
0x74: {  	[hbm4b:s10+s3] =	stream.linear.scatter [tilespmem:s19], [sflag:$0x6], $0x4000, $0x38;
	[tilespmem:$0x1A400] =	vst v63  }
0x75: {  	_ =	swait.ge [sflag:s5], $0x4000  }
0x76: {  	s9 =	sshra.s32 s9, $0x2;
	[sflag:s5] =	ssyncset.done $0x0  }
0x77: {  	s10 =	sadd.s32 $0x480, s9;
	[sflag:s5] =	ssyncadd.s32 $0xFFFFC000  }
0x78: {  	[tilespmem:s28], [sflag:$0x5] =	stream.indirect.gather [hbm4b:s1+s18], $0x80, s10, s18, $0xb8;
	[tilespmem:$0x1A400] =	vst v63  }
0x79: {  	_ =	swait.ge [sflag:s29], $0x4000  }
0x7a: {  	[sflag:s29] =	ssyncset.done $0x0  }
0x7b: {  	s10 =	sadd.s32 $0xFFFFE800, s8;
	[sflag:s29] =	ssyncadd.s32 $0xFFFFC000  }
0x7c: {  	[hbm4b:s10+s3] =	stream.linear.scatter [tilespmem:s20], [sflag:$0x7], $0x4000, $0x38;
	[tilespmem:$0x1A400] =	vst v63  }
0x7d: {  	_ =	swait.ge [sflag:s30], $0x4000  }
0x7e: {  	[sflag:s30] =	ssyncset.done $0x0  }
0x7f: {  	s10 =	sadd.s32 $0x500, s9;
	[sflag:s30] =	ssyncadd.s32 $0xFFFFC000  }
0x80: {  	[tilespmem:s19], [sflag:$0x1] =	stream.indirect.gather [hbm4b:s1+s18], $0x80, s10, s18, $0xb8;
	[tilespmem:$0x1A400] =	vst v63  }
0x81: {  	_ =	swait.ge [sflag:s2], $0x4000  }
0x82: {  	[sflag:s2] =	ssyncset.done $0x0  }
0x83: {  	s10 =	sadd.s32 $0xFFFFF000, s8;
	[sflag:s2] =	ssyncadd.s32 $0xFFFFC000  }
0x84: {  	[hbm4b:s10+s3] =	stream.linear.scatter [tilespmem:s22], [sflag:$0x8], $0x4000, $0x38;
	[tilespmem:$0x1A400] =	vst v63  }
0x85: {  	_ =	swait.ge [sflag:s0], $0x4000  }
0x86: {  	[sflag:s0] =	ssyncset.done $0x0  }
0x87: {  	s10 =	sadd.s32 $0x580, s9;
	[sflag:s0] =	ssyncadd.s32 $0xFFFFC000  }
0x88: {  	[tilespmem:s20], [sflag:$0x2] =	stream.indirect.gather [hbm4b:s1+s18], $0x80, s10, s18, $0xb8;
	[tilespmem:$0x1A400] =	vst v63  }
0x89: {  	_ =	swait.ge [sflag:s23], $0x4000  }
0x8a: {  	[sflag:s23] =	ssyncset.done $0x0  }
0x8b: {  	s10 =	sadd.s32 $0xFFFFF800, s8;
	[sflag:s23] =	ssyncadd.s32 $0xFFFFC000  }
0x8c: {  	[hbm4b:s10+s3] =	stream.linear.scatter [tilespmem:s24], [sflag:$0x9], $0x4000, $0x38;
	[tilespmem:$0x1A400] =	vst v63  }
0x8d: {  	_ =	swait.ge [sflag:s26], $0x4000  }
0x8e: {  	[sflag:s26] =	ssyncset.done $0x0  }
0x8f: {  	s10 =	sadd.s32 $0x600, s9;
	[sflag:s26] =	ssyncadd.s32 $0xFFFFC000  }
0x90: {  	[tilespmem:s22], [sflag:$0x3] =	stream.indirect.gather [hbm4b:s1+s18], $0x80, s10, s18, $0xb8;
	[tilespmem:$0x1A400] =	vst v63  }
0x91: {  	_ =	swait.ge [sflag:s21], $0x4000  }
0x92: {  	[sflag:s21] =	ssyncset.done $0x0  }
.Ltmp0:
0x93: {  	[sflag:s21] =	ssyncadd.s32 $0xFFFFC000;
	(pc) =	sbr.rel @p0 .LBB2_2-.Ltmp0, $4  }
0x94: {  	[hbm4b:s8+s3] =	stream.linear.scatter [tilespmem:s28], [sflag:$0xA], $0x4000, $0x38;
	[tilespmem:$0x1A400] =	vst v63  }
0x95: {  	_ =	swait.ge [sflag:s31], $0x4000  }
0x96: {  	[sflag:s31] =	ssyncset.done $0x0  }
0x97: {  	s9 =	sadd.s32 $0x680, s9;
	s8 =	sadd.s32 $0x2800, s8;
	[sflag:s31] =	ssyncadd.s32 $0xFFFFC000  }
0x98: {  	[tilespmem:s24], [sflag:$0x4] =	stream.indirect.gather [hbm4b:s1+s18], $0x80, s9, s18, $0xb8;
	[tilespmem:$0x1A400] =	vst v63  }
0x99: {  	_ =	swait.ge [sflag:s25], $0x4000  }
0x9a: {  	[sflag:s25] =	ssyncset.done $0x0  }
0x9b: {  	s7 =	rddreg [dreg:$0x9];
	[sflag:s25] =	ssyncadd.s32 $0xFFFFC000  }
0x9c: {  	[hbm4b:s7+s3] =	stream.linear.scatter [tilespmem:s19], [sflag:$0x6], $0x4000, $0x38;
	[tilespmem:$0x1A400] =	vst v63  }
0x9d: {  	_ =	swait.ge [sflag:s5], $0x4000  }
0x9e: {  	[sflag:s5] =	ssyncset.done $0x0  }
0x9f: {  	s10 =	simm.s32 $0x6380;
	[sflag:s5] =	ssyncadd.s32 $0xFFFFC000  }
0xa0: {  	[tilespmem:s28], [sflag:$0x5] =	stream.indirect.gather [hbm4b:s1+s18], $0x80, s10, s18, $0xb8;
	[tilespmem:$0x1A400] =	vst v63  }
0xa1: {  	_ =	swait.ge [sflag:s29], $0x4000  }
0xa2: {  	[sflag:s29] =	ssyncset.done $0x0  }
0xa3: {  	[sflag:s29] =	ssyncadd.s32 $0xFFFFC000  }
0xa4: {  	[hbm4b:s11+s3] =	stream.linear.scatter [tilespmem:s20], [sflag:$0x7], $0x4000, $0x38;
	[tilespmem:$0x1A400] =	vst v63  }
0xa5: {  	_ =	swait.ge [sflag:s2], $0x4000  }
0xa6: {  	[sflag:s2] =	ssyncset.done $0x0  }
0xa7: {  	[sflag:s2] =	ssyncadd.s32 $0xFFFFC000  }
0xa8: {  	[hbm4b:s12+s3] =	stream.linear.scatter [tilespmem:s22], [sflag:$0x8], $0x4000, $0x38;
	[tilespmem:$0x1A400] =	vst v63  }
0xa9: {  	_ =	swait.ge [sflag:s23], $0x4000  }
0xaa: {  	[sflag:s23] =	ssyncset.done $0x0  }
0xab: {  	[sflag:s23] =	ssyncadd.s32 $0xFFFFC000  }
0xac: {  	[hbm4b:s13+s3] =	stream.linear.scatter [tilespmem:s24], [sflag:$0x9], $0x4000, $0x38;
	[tilespmem:$0x1A400] =	vst v63  }
0xad: {  	_ =	swait.ge [sflag:s21], $0x4000  }
0xae: {  	[sflag:s21] =	ssyncset.done $0x0  }
0xaf: {  	[sflag:s21] =	ssyncadd.s32 $0xFFFFC000  }
0xb0: {  	[hbm4b:s14+s3] =	stream.linear.scatter [tilespmem:s28], [sflag:$0xA], $0x4000, $0x38;
	[tilespmem:$0x1A400] =	vst v63  }
0xb1: {  	_ =	swait.ge [sflag:s30], $0x4000  }
0xb2: {  	[sflag:s30] =	ssyncset.done $0x0  }
0xb3: {  	[sflag:s30] =	ssyncadd.s32 $0xFFFFC000  }
0xb4: {  	_ =	swait.ge [sflag:s0], $0x4000  }
0xb5: {  	[sflag:s0] =	ssyncset.done $0x0  }
0xb6: {  	[sflag:s0] =	ssyncadd.s32 $0xFFFFC000  }
0xb7: {  	_ =	swait.ge [sflag:s26], $0x4000  }
0xb8: {  	[sflag:s26] =	ssyncset.done $0x0  }
0xb9: {  	s6 =	sadd.s32 $0x1, s6;
	[sflag:s26] =	ssyncadd.s32 $0xFFFFC000  }
0xba: {  	p0 =	sne.s32 s6, s15;
	_ =	swait.ge [sflag:s31], $0x4000  }
.Ltmp1:
0xbb: {  	[sflag:s31] =	ssyncset.done $0x0;
	(pc) =	sbr.rel @p0 .LBB2_1-.Ltmp1, $4  }
0xbc: {  	[sflag:s31] =	ssyncadd.s32 $0xFFFFC000  }
0xbd: {  	_ =	swait.ge [sflag:s5], $0x4000  }
0xbe: {  	[sflag:s5] =	ssyncset.done $0x0  }
0xbf: {  	[sflag:s5] =	ssyncadd.s32 $0xFFFFC000  }
0xc0: {  	_ =	sfence.sel $0x180000  }
0xc1: {  	[bflag:$0x0] =	sbarrier.arrive $0xFFFF  }
0xc2: {  	_ =	strace $0x90000047  }
0xc3: {  	s0 =	stileid.u32;
	[bflag:$0x2] =	sbarrier.arrive $0xFFFF  }
0xc4: {  	p0 =	sne.s32 s0, $0x0;
	s0 =	rddreg [dreg:$0x3]  }
0xc5: {  	s0 =	sadd.s32 @!p0 $0x100000, s0  }
0xc6: {  	[sflag:s0] =	ssyncadd.tile.s32 @!p0 $0x1;
	_ =	shalt  }
.Lfunc_end2:
_tile_overlayer_lowered:
.L_overlay_start_2:
0xc7: {  	(tag) =	ssettag $0x2  }
0xc8: {  	s0 =	rddreg [dreg:$0x0];
	s2 =	stileid.u32  }
0xc9: {  	s1 =	rddreg [dreg:$0x1];
	p0 =	sne.s32 s2, $0x0  }
0xca: {  	s3 =	rddreg [dreg:$0x2];
	[bflag:$0x3] =	sbarrier.arrive $0xFFFF;
	s2 =	simm.s32 @!p0 $0x1C0B  }
0xcb: {  	[timem:s3], [sflag:s2] =	dma.local @!p0 [hbm:s0], s1  }
0xcc: {  	s0 =	simm.s32 @!p0 $0xB  }
0xcd: {  	_ =	swait.ge @!p0 [sflag:s0], s1  }
0xce: {  	s1 =	ssub.s32 @!p0 $0x0, s1;
	[sflag:s0] =	ssyncset.done @!p0 $0x0  }
0xcf: {  	[sflag:s0] =	ssyncadd.s32 @!p0 s1  }
0xd0: {  	[bflag:$0x3] =	sbarrier.arrive $0xFFFF  }
0xd1: {  	_ =	shalt  }

</sc_bundles>
